<compile_context>
chip_gen: v7x
topology: tpu7x:2x2x1
jax: 0.10.2.dev20260603
libtpu: 0.0.44.dev20260713+nightly
codegen_flags: <defaults>
</compile_context>

<pallas_src>
import functools

import jax
import jax.numpy as jnp
from jax import lax
from jax.experimental import pallas as pl
from jax.experimental.pallas import tpu as pltpu
from jax.experimental.pallas import tpu_sc as plsc

B = 32
T = 1024
V = 8192
D = 256
N = B * T

NC = 2
NS = 16
NW = NC * NS

B_PER_W = N // NW
CHUNK = 64
NCHUNK = B_PER_W // CHUNK
NBUF = 6

_mesh = plsc.VectorSubcoreMesh(core_axis_name="c", subcore_axis_name="s")


@functools.partial(
    pl.kernel,
    mesh=_mesh,
    out_type=jax.ShapeDtypeStruct((NW, B_PER_W, D), jnp.float32),
    scratch_types=[
        pltpu.VMEM((B_PER_W,), jnp.int32),
        *[pltpu.VMEM((CHUNK, D), jnp.float32) for _ in range(NBUF)],
        *[pltpu.SemaphoreType.DMA for _ in range(2 * NBUF)],
    ],
)
def _gather_kernel(idx_hbm, table_hbm, out_hbm, idx_v, *scratch):
    bufs = scratch[:NBUF]
    gsems = scratch[NBUF:2 * NBUF]
    ssems = scratch[2 * NBUF:]
    wid = lax.axis_index("s") * NC + lax.axis_index("c")
    pltpu.sync_copy(idx_hbm.at[wid], idx_v)
    gcp = [None] * NBUF
    scp = [None] * NBUF
    for j in range(NCHUNK + 1):
        if j < NCHUNK:
            b = j % NBUF
            if j >= NBUF:
                scp[b].wait()
            gcp[b] = pltpu.async_copy(
                table_hbm.at[idx_v.at[pl.ds(j * CHUNK, CHUNK)]], bufs[b], gsems[b]
            )
        if j >= 1:
            i = j - 1
            b = i % NBUF
            gcp[b].wait()
            scp[b] = pltpu.async_copy(
                bufs[b], out_hbm.at[wid, pl.ds(i * CHUNK, CHUNK)], ssems[b]
            )
    for i in range(max(0, NCHUNK - NBUF), NCHUNK):
        scp[i % NBUF].wait()


def kernel(inputs, codebook):
    return _gather_kernel(inputs.astype(jnp.int32), codebook)

# --- scband reference (transcript-rebuilt; emitter-appended) ---
"""Pipeline reference for scband-token-embedding-45131516346852 (READ-ONLY COPY).

The authoritative reference and input builder live on the scoring server;
editing this copy changes nothing except your own understanding.
"""

import jax, jax.numpy as jnp
import numpy as np

CODEBOOK_SIZE = 8192
EMBEDDING_DIM = 256
BATCH = 32
NUM_TOKENS = 1024


def setup_inputs(seed: int = 0) -> dict:
    key = jax.random.key(seed)
    k_tok, k_cb = jax.random.split(key)
    inputs = jax.random.randint(k_tok, (BATCH, NUM_TOKENS), 0, CODEBOOK_SIZE, dtype=jnp.int64 if jax.config.read('jax_enable_x64') else jnp.int32)
    # codebook parameter, RandomUniform init like keras default (-0.05, 0.05)
    codebook = jax.random.uniform(k_cb, (CODEBOOK_SIZE, EMBEDDING_DIM), dtype=jnp.float32, minval=-0.05, maxval=0.05)
    return {"inputs": inputs, "codebook": codebook}


def reference(inputs, codebook):
    # TokenEmbedding.call -> get_embedding: tf.gather(codebook, tokens, axis=0)
    return jnp.take(codebook, inputs, axis=0)

if __name__ == "__main__":
    import jax
    _d = setup_inputs()
    print(jax.jit(kernel)(*tuple(_d.values())))

</pallas_src>

<mosaic_0001>
#map = affine_map<(d0, d1) -> (0, 0)>
#map1 = affine_map<(d0, d1) -> (0, 0, 0)>
module attributes {stable_mosaic.version = 14 : i64} {
  func.func @_gather_kernel(%arg0: i32, %arg1: i32, %arg2: memref<32x1024xi32, #tpu.memory_space<hbm>>, %arg3: memref<8192x256xf32, #tpu.memory_space<hbm>>, %arg4: memref<32x1024x256xf32, #tpu.memory_space<hbm>>, %arg5: memref<1024xi32, #tpu.memory_space<vmem>>, %arg6: memref<64x256xf32, #tpu.memory_space<vmem>>, %arg7: memref<64x256xf32, #tpu.memory_space<vmem>>, %arg8: memref<64x256xf32, #tpu.memory_space<vmem>>, %arg9: memref<64x256xf32, #tpu.memory_space<vmem>>, %arg10: memref<64x256xf32, #tpu.memory_space<vmem>>, %arg11: memref<64x256xf32, #tpu.memory_space<vmem>>, %arg12: memref<!tpu.dma_semaphore, #tpu.memory_space<semaphore_mem>>, %arg13: memref<!tpu.dma_semaphore, #tpu.memory_space<semaphore_mem>>, %arg14: memref<!tpu.dma_semaphore, #tpu.memory_space<semaphore_mem>>, %arg15: memref<!tpu.dma_semaphore, #tpu.memory_space<semaphore_mem>>, %arg16: memref<!tpu.dma_semaphore, #tpu.memory_space<semaphore_mem>>, %arg17: memref<!tpu.dma_semaphore, #tpu.memory_space<semaphore_mem>>, %arg18: memref<!tpu.dma_semaphore, #tpu.memory_space<semaphore_mem>>, %arg19: memref<!tpu.dma_semaphore, #tpu.memory_space<semaphore_mem>>, %arg20: memref<!tpu.dma_semaphore, #tpu.memory_space<semaphore_mem>>, %arg21: memref<!tpu.dma_semaphore, #tpu.memory_space<semaphore_mem>>, %arg22: memref<!tpu.dma_semaphore, #tpu.memory_space<semaphore_mem>>, %arg23: memref<!tpu.dma_semaphore, #tpu.memory_space<semaphore_mem>>) attributes {dimension_semantics = [#tpu.dimension_semantics<core_parallel>, #tpu.dimension_semantics<subcore_parallel>], iteration_bounds = array<i64: 2, 16>, scalar_prefetch = 0 : i64, scratch_operands = 19 : i64, tpu.core_type = #tpu.core_type<sc_vector_subcore>, window_params = [{transform_indices = #map}, {transform_indices = #map}, {transform_indices = #map1}]} {
    %mul3A = arith.constant 2 : i32
    %mul3A_0 = arith.muli %arg1, %mul3A : i32
    %add3A = arith.addi %mul3A_0, %arg0 : i32
    "tpu.region"() ({
      %run_scoped3A = tpu.sem_alloc : memref<!tpu.dma_semaphore, #tpu.memory_space<semaphore_mem>>
      %dma_start3A_415 = arith.constant 0 : i32
      %dma_start3A_416 = tpu.memref_slice %arg2[%add3A, %dma_start3A_415] : memref<32x1024xi32, #tpu.memory_space<hbm>> -> memref<1x1024xi32, #tpu.memory_space<hbm>>
      %dma_start3A_417 = tpu.memref_squeeze %dma_start3A_416 : memref<1x1024xi32, #tpu.memory_space<hbm>> -> memref<1024xi32, #tpu.memory_space<hbm>>
      %dma_start3A_418 = arith.constant 0 : i32
      %dma_start3A_419 = tpu.memref_slice %arg2[%add3A, %dma_start3A_418] : memref<32x1024xi32, #tpu.memory_space<hbm>> -> memref<1x1024xi32, #tpu.memory_space<hbm>>
      %dma_start3A_420 = tpu.memref_squeeze %dma_start3A_419 : memref<1x1024xi32, #tpu.memory_space<hbm>> -> memref<1024xi32, #tpu.memory_space<hbm>>
      tpu.enqueue_dma source(%dma_start3A_420 : memref<1024xi32, #tpu.memory_space<hbm>>) target(%arg5 : memref<1024xi32, #tpu.memory_space<vmem>>) target_semaphore(%run_scoped3A : memref<!tpu.dma_semaphore, #tpu.memory_space<semaphore_mem>>)
      %dma_wait3A_421 = arith.constant 0 : i32
      %dma_wait3A_422 = tpu.memref_slice %arg2[%add3A, %dma_wait3A_421] : memref<32x1024xi32, #tpu.memory_space<hbm>> -> memref<1x1024xi32, #tpu.memory_space<hbm>>
      %dma_wait3A_423 = tpu.memref_squeeze %dma_wait3A_422 : memref<1x1024xi32, #tpu.memory_space<hbm>> -> memref<1024xi32, #tpu.memory_space<hbm>>
      %dma_wait3A_424 = arith.constant 0 : i32
      %dma_wait3A_425 = tpu.memref_slice %arg2[%add3A, %dma_wait3A_424] : memref<32x1024xi32, #tpu.memory_space<hbm>> -> memref<1x1024xi32, #tpu.memory_space<hbm>>
      %dma_wait3A_426 = tpu.memref_squeeze %dma_wait3A_425 : memref<1x1024xi32, #tpu.memory_space<hbm>> -> memref<1024xi32, #tpu.memory_space<hbm>>
      tpu.wait_dma2 semaphore(%run_scoped3A : memref<!tpu.dma_semaphore, #tpu.memory_space<semaphore_mem>>) src(%dma_wait3A_426 : memref<1024xi32, #tpu.memory_space<hbm>>) dst(%arg5 : memref<1024xi32, #tpu.memory_space<vmem>>)
      tpu.yield
    }) : () -> ()
    %dma_start3A = arith.constant 0 : i32
    %dma_start3A_1 = tpu.memref_slice %arg5[%dma_start3A] : memref<1024xi32, #tpu.memory_space<vmem>> -> memref<64xi32, #tpu.memory_space<vmem>>
    %dma_start3A_2 = arith.constant 0 : i32
    %dma_start3A_3 = arith.constant 0 : i32
    %dma_start3A_4 = tpu.memref_slice %arg3[%dma_start3A_2, %dma_start3A_3] : memref<8192x256xf32, #tpu.memory_space<hbm>> -> memref<8192x256xf32, #tpu.memory_space<hbm>>
    tpu.enqueue_indirect_dma source(%dma_start3A_4 : memref<8192x256xf32, #tpu.memory_space<hbm>>) target(%arg6 : memref<64x256xf32, #tpu.memory_space<vmem>>) offsets(%dma_start3A_1 : memref<64xi32, #tpu.memory_space<vmem>>) semaphore(%arg12 : memref<!tpu.dma_semaphore, #tpu.memory_space<semaphore_mem>>)
    %dma_start3A_5 = arith.constant 64 : i32
    %dma_start3A_6 = tpu.memref_slice %arg5[%dma_start3A_5] : memref<1024xi32, #tpu.memory_space<vmem>> -> memref<64xi32, #tpu.memory_space<vmem>>
    %dma_start3A_7 = arith.constant 0 : i32
    %dma_start3A_8 = arith.constant 0 : i32
    %dma_start3A_9 = tpu.memref_slice %arg3[%dma_start3A_7, %dma_start3A_8] : memref<8192x256xf32, #tpu.memory_space<hbm>> -> memref<8192x256xf32, #tpu.memory_space<hbm>>
    tpu.enqueue_indirect_dma source(%dma_start3A_9 : memref<8192x256xf32, #tpu.memory_space<hbm>>) target(%arg7 : memref<64x256xf32, #tpu.memory_space<vmem>>) offsets(%dma_start3A_6 : memref<64xi32, #tpu.memory_space<vmem>>) semaphore(%arg13 : memref<!tpu.dma_semaphore, #tpu.memory_space<semaphore_mem>>)
    %dma_wait3A = arith.constant 0 : i32
    %dma_wait3A_10 = tpu.memref_slice %arg5[%dma_wait3A] : memref<1024xi32, #tpu.memory_space<vmem>> -> memref<64xi32, #tpu.memory_space<vmem>>
    %dma_wait3A_11 = arith.constant 0 : i32
    %dma_wait3A_12 = arith.constant 0 : i32
    %dma_wait3A_13 = tpu.memref_slice %arg3[%dma_wait3A_11, %dma_wait3A_12] : memref<8192x256xf32, #tpu.memory_space<hbm>> -> memref<8192x256xf32, #tpu.memory_space<hbm>>
    tpu.wait_indirect_dma semaphore(%arg12 : memref<!tpu.dma_semaphore, #tpu.memory_space<semaphore_mem>>) src(%dma_wait3A_13 : memref<8192x256xf32, #tpu.memory_space<hbm>>) dst(%arg6 : memref<64x256xf32, #tpu.memory_space<vmem>>)
    %dma_start3A_14 = arith.constant 0 : i32
    %dma_start3A_15 = arith.constant 0 : i32
    %dma_start3A_16 = tpu.memref_slice %arg4[%add3A, %dma_start3A_14, %dma_start3A_15] : memref<32x1024x256xf32, #tpu.memory_space<hbm>> -> memref<1x64x256xf32, #tpu.memory_space<hbm>>
    %dma_start3A_17 = tpu.memref_squeeze %dma_start3A_16 : memref<1x64x256xf32, #tpu.memory_space<hbm>> -> memref<64x256xf32, #tpu.memory_space<hbm>>
    %dma_start3A_18 = arith.constant 0 : i32
    %dma_start3A_19 = arith.constant 0 : i32
    %dma_start3A_20 = tpu.memref_slice %arg4[%add3A, %dma_start3A_18, %dma_start3A_19] : memref<32x1024x256xf32, #tpu.memory_space<hbm>> -> memref<1x64x256xf32, #tpu.memory_space<hbm>>
    %dma_start3A_21 = tpu.memref_squeeze %dma_start3A_20 : memref<1x64x256xf32, #tpu.memory_space<hbm>> -> memref<64x256xf32, #tpu.memory_space<hbm>>
    tpu.enqueue_dma source(%arg6 : memref<64x256xf32, #tpu.memory_space<vmem>>) target(%dma_start3A_21 : memref<64x256xf32, #tpu.memory_space<hbm>>) target_semaphore(%arg18 : memref<!tpu.dma_semaphore, #tpu.memory_space<semaphore_mem>>)
    %dma_start3A_22 = arith.constant 128 : i32
    %dma_start3A_23 = tpu.memref_slice %arg5[%dma_start3A_22] : memref<1024xi32, #tpu.memory_space<vmem>> -> memref<64xi32, #tpu.memory_space<vmem>>
    %dma_start3A_24 = arith.constant 0 : i32
    %dma_start3A_25 = arith.constant 0 : i32
    %dma_start3A_26 = tpu.memref_slice %arg3[%dma_start3A_24, %dma_start3A_25] : memref<8192x256xf32, #tpu.memory_space<hbm>> -> memref<8192x256xf32, #tpu.memory_space<hbm>>
    tpu.enqueue_indirect_dma source(%dma_start3A_26 : memref<8192x256xf32, #tpu.memory_space<hbm>>) target(%arg8 : memref<64x256xf32, #tpu.memory_space<vmem>>) offsets(%dma_start3A_23 : memref<64xi32, #tpu.memory_space<vmem>>) semaphore(%arg14 : memref<!tpu.dma_semaphore, #tpu.memory_space<semaphore_mem>>)
    %dma_wait3A_27 = arith.constant 64 : i32
    %dma_wait3A_28 = tpu.memref_slice %arg5[%dma_wait3A_27] : memref<1024xi32, #tpu.memory_space<vmem>> -> memref<64xi32, #tpu.memory_space<vmem>>
    %dma_wait3A_29 = arith.constant 0 : i32
    %dma_wait3A_30 = arith.constant 0 : i32
    %dma_wait3A_31 = tpu.memref_slice %arg3[%dma_wait3A_29, %dma_wait3A_30] : memref<8192x256xf32, #tpu.memory_space<hbm>> -> memref<8192x256xf32, #tpu.memory_space<hbm>>
    tpu.wait_indirect_dma semaphore(%arg13 : memref<!tpu.dma_semaphore, #tpu.memory_space<semaphore_mem>>) src(%dma_wait3A_31 : memref<8192x256xf32, #tpu.memory_space<hbm>>) dst(%arg7 : memref<64x256xf32, #tpu.memory_space<vmem>>)
    %dma_start3A_32 = arith.constant 64 : i32
    %dma_start3A_33 = arith.constant 0 : i32
    %dma_start3A_34 = tpu.memref_slice %arg4[%add3A, %dma_start3A_32, %dma_start3A_33] : memref<32x1024x256xf32, #tpu.memory_space<hbm>> -> memref<1x64x256xf32, #tpu.memory_space<hbm>>
    %dma_start3A_35 = tpu.memref_squeeze %dma_start3A_34 : memref<1x64x256xf32, #tpu.memory_space<hbm>> -> memref<64x256xf32, #tpu.memory_space<hbm>>
    %dma_start3A_36 = arith.constant 64 : i32
    %dma_start3A_37 = arith.constant 0 : i32
    %dma_start3A_38 = tpu.memref_slice %arg4[%add3A, %dma_start3A_36, %dma_start3A_37] : memref<32x1024x256xf32, #tpu.memory_space<hbm>> -> memref<1x64x256xf32, #tpu.memory_space<hbm>>
    %dma_start3A_39 = tpu.memref_squeeze %dma_start3A_38 : memref<1x64x256xf32, #tpu.memory_space<hbm>> -> memref<64x256xf32, #tpu.memory_space<hbm>>
    tpu.enqueue_dma source(%arg7 : memref<64x256xf32, #tpu.memory_space<vmem>>) target(%dma_start3A_39 : memref<64x256xf32, #tpu.memory_space<hbm>>) target_semaphore(%arg19 : memref<!tpu.dma_semaphore, #tpu.memory_space<semaphore_mem>>)
    %dma_start3A_40 = arith.constant 192 : i32
    %dma_start3A_41 = tpu.memref_slice %arg5[%dma_start3A_40] : memref<1024xi32, #tpu.memory_space<vmem>> -> memref<64xi32, #tpu.memory_space<vmem>>
    %dma_start3A_42 = arith.constant 0 : i32
    %dma_start3A_43 = arith.constant 0 : i32
    %dma_start3A_44 = tpu.memref_slice %arg3[%dma_start3A_42, %dma_start3A_43] : memref<8192x256xf32, #tpu.memory_space<hbm>> -> memref<8192x256xf32, #tpu.memory_space<hbm>>
    tpu.enqueue_indirect_dma source(%dma_start3A_44 : memref<8192x256xf32, #tpu.memory_space<hbm>>) target(%arg9 : memref<64x256xf32, #tpu.memory_space<vmem>>) offsets(%dma_start3A_41 : memref<64xi32, #tpu.memory_space<vmem>>) semaphore(%arg15 : memref<!tpu.dma_semaphore, #tpu.memory_space<semaphore_mem>>)
    %dma_wait3A_45 = arith.constant 128 : i32
    %dma_wait3A_46 = tpu.memref_slice %arg5[%dma_wait3A_45] : memref<1024xi32, #tpu.memory_space<vmem>> -> memref<64xi32, #tpu.memory_space<vmem>>
    %dma_wait3A_47 = arith.constant 0 : i32
    %dma_wait3A_48 = arith.constant 0 : i32
    %dma_wait3A_49 = tpu.memref_slice %arg3[%dma_wait3A_47, %dma_wait3A_48] : memref<8192x256xf32, #tpu.memory_space<hbm>> -> memref<8192x256xf32, #tpu.memory_space<hbm>>
    tpu.wait_indirect_dma semaphore(%arg14 : memref<!tpu.dma_semaphore, #tpu.memory_space<semaphore_mem>>) src(%dma_wait3A_49 : memref<8192x256xf32, #tpu.memory_space<hbm>>) dst(%arg8 : memref<64x256xf32, #tpu.memory_space<vmem>>)
    %dma_start3A_50 = arith.constant 128 : i32
    %dma_start3A_51 = arith.constant 0 : i32
    %dma_start3A_52 = tpu.memref_slice %arg4[%add3A, %dma_start3A_50, %dma_start3A_51] : memref<32x1024x256xf32, #tpu.memory_space<hbm>> -> memref<1x64x256xf32, #tpu.memory_space<hbm>>
    %dma_start3A_53 = tpu.memref_squeeze %dma_start3A_52 : memref<1x64x256xf32, #tpu.memory_space<hbm>> -> memref<64x256xf32, #tpu.memory_space<hbm>>
    %dma_start3A_54 = arith.constant 128 : i32
    %dma_start3A_55 = arith.constant 0 : i32
    %dma_start3A_56 = tpu.memref_slice %arg4[%add3A, %dma_start3A_54, %dma_start3A_55] : memref<32x1024x256xf32, #tpu.memory_space<hbm>> -> memref<1x64x256xf32, #tpu.memory_space<hbm>>
    %dma_start3A_57 = tpu.memref_squeeze %dma_start3A_56 : memref<1x64x256xf32, #tpu.memory_space<hbm>> -> memref<64x256xf32, #tpu.memory_space<hbm>>
    tpu.enqueue_dma source(%arg8 : memref<64x256xf32, #tpu.memory_space<vmem>>) target(%dma_start3A_57 : memref<64x256xf32, #tpu.memory_space<hbm>>) target_semaphore(%arg20 : memref<!tpu.dma_semaphore, #tpu.memory_space<semaphore_mem>>)
    %dma_start3A_58 = arith.constant 256 : i32
    %dma_start3A_59 = tpu.memref_slice %arg5[%dma_start3A_58] : memref<1024xi32, #tpu.memory_space<vmem>> -> memref<64xi32, #tpu.memory_space<vmem>>
    %dma_start3A_60 = arith.constant 0 : i32
    %dma_start3A_61 = arith.constant 0 : i32
    %dma_start3A_62 = tpu.memref_slice %arg3[%dma_start3A_60, %dma_start3A_61] : memref<8192x256xf32, #tpu.memory_space<hbm>> -> memref<8192x256xf32, #tpu.memory_space<hbm>>
    tpu.enqueue_indirect_dma source(%dma_start3A_62 : memref<8192x256xf32, #tpu.memory_space<hbm>>) target(%arg10 : memref<64x256xf32, #tpu.memory_space<vmem>>) offsets(%dma_start3A_59 : memref<64xi32, #tpu.memory_space<vmem>>) semaphore(%arg16 : memref<!tpu.dma_semaphore, #tpu.memory_space<semaphore_mem>>)
    %dma_wait3A_63 = arith.constant 192 : i32
    %dma_wait3A_64 = tpu.memref_slice %arg5[%dma_wait3A_63] : memref<1024xi32, #tpu.memory_space<vmem>> -> memref<64xi32, #tpu.memory_space<vmem>>
    %dma_wait3A_65 = arith.constant 0 : i32
    %dma_wait3A_66 = arith.constant 0 : i32
    %dma_wait3A_67 = tpu.memref_slice %arg3[%dma_wait3A_65, %dma_wait3A_66] : memref<8192x256xf32, #tpu.memory_space<hbm>> -> memref<8192x256xf32, #tpu.memory_space<hbm>>
    tpu.wait_indirect_dma semaphore(%arg15 : memref<!tpu.dma_semaphore, #tpu.memory_space<semaphore_mem>>) src(%dma_wait3A_67 : memref<8192x256xf32, #tpu.memory_space<hbm>>) dst(%arg9 : memref<64x256xf32, #tpu.memory_space<vmem>>)
    %dma_start3A_68 = arith.constant 192 : i32
    %dma_start3A_69 = arith.constant 0 : i32
    %dma_start3A_70 = tpu.memref_slice %arg4[%add3A, %dma_start3A_68, %dma_start3A_69] : memref<32x1024x256xf32, #tpu.memory_space<hbm>> -> memref<1x64x256xf32, #tpu.memory_space<hbm>>
    %dma_start3A_71 = tpu.memref_squeeze %dma_start3A_70 : memref<1x64x256xf32, #tpu.memory_space<hbm>> -> memref<64x256xf32, #tpu.memory_space<hbm>>
    %dma_start3A_72 = arith.constant 192 : i32
    %dma_start3A_73 = arith.constant 0 : i32
    %dma_start3A_74 = tpu.memref_slice %arg4[%add3A, %dma_start3A_72, %dma_start3A_73] : memref<32x1024x256xf32, #tpu.memory_space<hbm>> -> memref<1x64x256xf32, #tpu.memory_space<hbm>>
    %dma_start3A_75 = tpu.memref_squeeze %dma_start3A_74 : memref<1x64x256xf32, #tpu.memory_space<hbm>> -> memref<64x256xf32, #tpu.memory_space<hbm>>
    tpu.enqueue_dma source(%arg9 : memref<64x256xf32, #tpu.memory_space<vmem>>) target(%dma_start3A_75 : memref<64x256xf32, #tpu.memory_space<hbm>>) target_semaphore(%arg21 : memref<!tpu.dma_semaphore, #tpu.memory_space<semaphore_mem>>)
    %dma_start3A_76 = arith.constant 320 : i32
    %dma_start3A_77 = tpu.memref_slice %arg5[%dma_start3A_76] : memref<1024xi32, #tpu.memory_space<vmem>> -> memref<64xi32, #tpu.memory_space<vmem>>
    %dma_start3A_78 = arith.constant 0 : i32
    %dma_start3A_79 = arith.constant 0 : i32
    %dma_start3A_80 = tpu.memref_slice %arg3[%dma_start3A_78, %dma_start3A_79] : memref<8192x256xf32, #tpu.memory_space<hbm>> -> memref<8192x256xf32, #tpu.memory_space<hbm>>
    tpu.enqueue_indirect_dma source(%dma_start3A_80 : memref<8192x256xf32, #tpu.memory_space<hbm>>) target(%arg11 : memref<64x256xf32, #tpu.memory_space<vmem>>) offsets(%dma_start3A_77 : memref<64xi32, #tpu.memory_space<vmem>>) semaphore(%arg17 : memref<!tpu.dma_semaphore, #tpu.memory_space<semaphore_mem>>)
    %dma_wait3A_81 = arith.constant 256 : i32
    %dma_wait3A_82 = tpu.memref_slice %arg5[%dma_wait3A_81] : memref<1024xi32, #tpu.memory_space<vmem>> -> memref<64xi32, #tpu.memory_space<vmem>>
    %dma_wait3A_83 = arith.constant 0 : i32
    %dma_wait3A_84 = arith.constant 0 : i32
    %dma_wait3A_85 = tpu.memref_slice %arg3[%dma_wait3A_83, %dma_wait3A_84] : memref<8192x256xf32, #tpu.memory_space<hbm>> -> memref<8192x256xf32, #tpu.memory_space<hbm>>
    tpu.wait_indirect_dma semaphore(%arg16 : memref<!tpu.dma_semaphore, #tpu.memory_space<semaphore_mem>>) src(%dma_wait3A_85 : memref<8192x256xf32, #tpu.memory_space<hbm>>) dst(%arg10 : memref<64x256xf32, #tpu.memory_space<vmem>>)
    %dma_start3A_86 = arith.constant 256 : i32
    %dma_start3A_87 = arith.constant 0 : i32
    %dma_start3A_88 = tpu.memref_slice %arg4[%add3A, %dma_start3A_86, %dma_start3A_87] : memref<32x1024x256xf32, #tpu.memory_space<hbm>> -> memref<1x64x256xf32, #tpu.memory_space<hbm>>
    %dma_start3A_89 = tpu.memref_squeeze %dma_start3A_88 : memref<1x64x256xf32, #tpu.memory_space<hbm>> -> memref<64x256xf32, #tpu.memory_space<hbm>>
    %dma_start3A_90 = arith.constant 256 : i32
    %dma_start3A_91 = arith.constant 0 : i32
    %dma_start3A_92 = tpu.memref_slice %arg4[%add3A, %dma_start3A_90, %dma_start3A_91] : memref<32x1024x256xf32, #tpu.memory_space<hbm>> -> memref<1x64x256xf32, #tpu.memory_space<hbm>>
    %dma_start3A_93 = tpu.memref_squeeze %dma_start3A_92 : memref<1x64x256xf32, #tpu.memory_space<hbm>> -> memref<64x256xf32, #tpu.memory_space<hbm>>
    tpu.enqueue_dma source(%arg10 : memref<64x256xf32, #tpu.memory_space<vmem>>) target(%dma_start3A_93 : memref<64x256xf32, #tpu.memory_space<hbm>>) target_semaphore(%arg22 : memref<!tpu.dma_semaphore, #tpu.memory_space<semaphore_mem>>)
    %dma_wait3A_94 = arith.constant 0 : i32
    %dma_wait3A_95 = arith.constant 0 : i32
    %dma_wait3A_96 = tpu.memref_slice %arg4[%add3A, %dma_wait3A_94, %dma_wait3A_95] : memref<32x1024x256xf32, #tpu.memory_space<hbm>> -> memref<1x64x256xf32, #tpu.memory_space<hbm>>
    %dma_wait3A_97 = tpu.memref_squeeze %dma_wait3A_96 : memref<1x64x256xf32, #tpu.memory_space<hbm>> -> memref<64x256xf32, #tpu.memory_space<hbm>>
    %dma_wait3A_98 = arith.constant 0 : i32
    %dma_wait3A_99 = arith.constant 0 : i32
    %dma_wait3A_100 = tpu.memref_slice %arg4[%add3A, %dma_wait3A_98, %dma_wait3A_99] : memref<32x1024x256xf32, #tpu.memory_space<hbm>> -> memref<1x64x256xf32, #tpu.memory_space<hbm>>
    %dma_wait3A_101 = tpu.memref_squeeze %dma_wait3A_100 : memref<1x64x256xf32, #tpu.memory_space<hbm>> -> memref<64x256xf32, #tpu.memory_space<hbm>>
    tpu.wait_dma2 semaphore(%arg18 : memref<!tpu.dma_semaphore, #tpu.memory_space<semaphore_mem>>) src(%arg6 : memref<64x256xf32, #tpu.memory_space<vmem>>) dst(%dma_wait3A_101 : memref<64x256xf32, #tpu.memory_space<hbm>>)
    %dma_start3A_102 = arith.constant 384 : i32
    %dma_start3A_103 = tpu.memref_slice %arg5[%dma_start3A_102] : memref<1024xi32, #tpu.memory_space<vmem>> -> memref<64xi32, #tpu.memory_space<vmem>>
    %dma_start3A_104 = arith.constant 0 : i32
    %dma_start3A_105 = arith.constant 0 : i32
    %dma_start3A_106 = tpu.memref_slice %arg3[%dma_start3A_104, %dma_start3A_105] : memref<8192x256xf32, #tpu.memory_space<hbm>> -> memref<8192x256xf32, #tpu.memory_space<hbm>>
    tpu.enqueue_indirect_dma source(%dma_start3A_106 : memref<8192x256xf32, #tpu.memory_space<hbm>>) target(%arg6 : memref<64x256xf32, #tpu.memory_space<vmem>>) offsets(%dma_start3A_103 : memref<64xi32, #tpu.memory_space<vmem>>) semaphore(%arg12 : memref<!tpu.dma_semaphore, #tpu.memory_space<semaphore_mem>>)
    %dma_wait3A_107 = arith.constant 320 : i32
    %dma_wait3A_108 = tpu.memref_slice %arg5[%dma_wait3A_107] : memref<1024xi32, #tpu.memory_space<vmem>> -> memref<64xi32, #tpu.memory_space<vmem>>
    %dma_wait3A_109 = arith.constant 0 : i32
    %dma_wait3A_110 = arith.constant 0 : i32
    %dma_wait3A_111 = tpu.memref_slice %arg3[%dma_wait3A_109, %dma_wait3A_110] : memref<8192x256xf32, #tpu.memory_space<hbm>> -> memref<8192x256xf32, #tpu.memory_space<hbm>>
    tpu.wait_indirect_dma semaphore(%arg17 : memref<!tpu.dma_semaphore, #tpu.memory_space<semaphore_mem>>) src(%dma_wait3A_111 : memref<8192x256xf32, #tpu.memory_space<hbm>>) dst(%arg11 : memref<64x256xf32, #tpu.memory_space<vmem>>)
    %dma_start3A_112 = arith.constant 320 : i32
    %dma_start3A_113 = arith.constant 0 : i32
    %dma_start3A_114 = tpu.memref_slice %arg4[%add3A, %dma_start3A_112, %dma_start3A_113] : memref<32x1024x256xf32, #tpu.memory_space<hbm>> -> memref<1x64x256xf32, #tpu.memory_space<hbm>>
    %dma_start3A_115 = tpu.memref_squeeze %dma_start3A_114 : memref<1x64x256xf32, #tpu.memory_space<hbm>> -> memref<64x256xf32, #tpu.memory_space<hbm>>
    %dma_start3A_116 = arith.constant 320 : i32
    %dma_start3A_117 = arith.constant 0 : i32
    %dma_start3A_118 = tpu.memref_slice %arg4[%add3A, %dma_start3A_116, %dma_start3A_117] : memref<32x1024x256xf32, #tpu.memory_space<hbm>> -> memref<1x64x256xf32, #tpu.memory_space<hbm>>
    %dma_start3A_119 = tpu.memref_squeeze %dma_start3A_118 : memref<1x64x256xf32, #tpu.memory_space<hbm>> -> memref<64x256xf32, #tpu.memory_space<hbm>>
    tpu.enqueue_dma source(%arg11 : memref<64x256xf32, #tpu.memory_space<vmem>>) target(%dma_start3A_119 : memref<64x256xf32, #tpu.memory_space<hbm>>) target_semaphore(%arg23 : memref<!tpu.dma_semaphore, #tpu.memory_space<semaphore_mem>>)
    %dma_wait3A_120 = arith.constant 64 : i32
    %dma_wait3A_121 = arith.constant 0 : i32
    %dma_wait3A_122 = tpu.memref_slice %arg4[%add3A, %dma_wait3A_120, %dma_wait3A_121] : memref<32x1024x256xf32, #tpu.memory_space<hbm>> -> memref<1x64x256xf32, #tpu.memory_space<hbm>>
    %dma_wait3A_123 = tpu.memref_squeeze %dma_wait3A_122 : memref<1x64x256xf32, #tpu.memory_space<hbm>> -> memref<64x256xf32, #tpu.memory_space<hbm>>
    %dma_wait3A_124 = arith.constant 64 : i32
    %dma_wait3A_125 = arith.constant 0 : i32
    %dma_wait3A_126 = tpu.memref_slice %arg4[%add3A, %dma_wait3A_124, %dma_wait3A_125] : memref<32x1024x256xf32, #tpu.memory_space<hbm>> -> memref<1x64x256xf32, #tpu.memory_space<hbm>>
    %dma_wait3A_127 = tpu.memref_squeeze %dma_wait3A_126 : memref<1x64x256xf32, #tpu.memory_space<hbm>> -> memref<64x256xf32, #tpu.memory_space<hbm>>
    tpu.wait_dma2 semaphore(%arg19 : memref<!tpu.dma_semaphore, #tpu.memory_space<semaphore_mem>>) src(%arg7 : memref<64x256xf32, #tpu.memory_space<vmem>>) dst(%dma_wait3A_127 : memref<64x256xf32, #tpu.memory_space<hbm>>)
    %dma_start3A_128 = arith.constant 448 : i32
    %dma_start3A_129 = tpu.memref_slice %arg5[%dma_start3A_128] : memref<1024xi32, #tpu.memory_space<vmem>> -> memref<64xi32, #tpu.memory_space<vmem>>
    %dma_start3A_130 = arith.constant 0 : i32
    %dma_start3A_131 = arith.constant 0 : i32
    %dma_start3A_132 = tpu.memref_slice %arg3[%dma_start3A_130, %dma_start3A_131] : memref<8192x256xf32, #tpu.memory_space<hbm>> -> memref<8192x256xf32, #tpu.memory_space<hbm>>
    tpu.enqueue_indirect_dma source(%dma_start3A_132 : memref<8192x256xf32, #tpu.memory_space<hbm>>) target(%arg7 : memref<64x256xf32, #tpu.memory_space<vmem>>) offsets(%dma_start3A_129 : memref<64xi32, #tpu.memory_space<vmem>>) semaphore(%arg13 : memref<!tpu.dma_semaphore, #tpu.memory_space<semaphore_mem>>)
    %dma_wait3A_133 = arith.constant 384 : i32
    %dma_wait3A_134 = tpu.memref_slice %arg5[%dma_wait3A_133] : memref<1024xi32, #tpu.memory_space<vmem>> -> memref<64xi32, #tpu.memory_space<vmem>>
    %dma_wait3A_135 = arith.constant 0 : i32
    %dma_wait3A_136 = arith.constant 0 : i32
    %dma_wait3A_137 = tpu.memref_slice %arg3[%dma_wait3A_135, %dma_wait3A_136] : memref<8192x256xf32, #tpu.memory_space<hbm>> -> memref<8192x256xf32, #tpu.memory_space<hbm>>
    tpu.wait_indirect_dma semaphore(%arg12 : memref<!tpu.dma_semaphore, #tpu.memory_space<semaphore_mem>>) src(%dma_wait3A_137 : memref<8192x256xf32, #tpu.memory_space<hbm>>) dst(%arg6 : memref<64x256xf32, #tpu.memory_space<vmem>>)
    %dma_start3A_138 = arith.constant 384 : i32
    %dma_start3A_139 = arith.constant 0 : i32
    %dma_start3A_140 = tpu.memref_slice %arg4[%add3A, %dma_start3A_138, %dma_start3A_139] : memref<32x1024x256xf32, #tpu.memory_space<hbm>> -> memref<1x64x256xf32, #tpu.memory_space<hbm>>
    %dma_start3A_141 = tpu.memref_squeeze %dma_start3A_140 : memref<1x64x256xf32, #tpu.memory_space<hbm>> -> memref<64x256xf32, #tpu.memory_space<hbm>>
    %dma_start3A_142 = arith.constant 384 : i32
    %dma_start3A_143 = arith.constant 0 : i32
    %dma_start3A_144 = tpu.memref_slice %arg4[%add3A, %dma_start3A_142, %dma_start3A_143] : memref<32x1024x256xf32, #tpu.memory_space<hbm>> -> memref<1x64x256xf32, #tpu.memory_space<hbm>>
    %dma_start3A_145 = tpu.memref_squeeze %dma_start3A_144 : memref<1x64x256xf32, #tpu.memory_space<hbm>> -> memref<64x256xf32, #tpu.memory_space<hbm>>
    tpu.enqueue_dma source(%arg6 : memref<64x256xf32, #tpu.memory_space<vmem>>) target(%dma_start3A_145 : memref<64x256xf32, #tpu.memory_space<hbm>>) target_semaphore(%arg18 : memref<!tpu.dma_semaphore, #tpu.memory_space<semaphore_mem>>)
    %dma_wait3A_146 = arith.constant 128 : i32
    %dma_wait3A_147 = arith.constant 0 : i32
    %dma_wait3A_148 = tpu.memref_slice %arg4[%add3A, %dma_wait3A_146, %dma_wait3A_147] : memref<32x1024x256xf32, #tpu.memory_space<hbm>> -> memref<1x64x256xf32, #tpu.memory_space<hbm>>
    %dma_wait3A_149 = tpu.memref_squeeze %dma_wait3A_148 : memref<1x64x256xf32, #tpu.memory_space<hbm>> -> memref<64x256xf32, #tpu.memory_space<hbm>>
    %dma_wait3A_150 = arith.constant 128 : i32
    %dma_wait3A_151 = arith.constant 0 : i32
    %dma_wait3A_152 = tpu.memref_slice %arg4[%add3A, %dma_wait3A_150, %dma_wait3A_151] : memref<32x1024x256xf32, #tpu.memory_space<hbm>> -> memref<1x64x256xf32, #tpu.memory_space<hbm>>
    %dma_wait3A_153 = tpu.memref_squeeze %dma_wait3A_152 : memref<1x64x256xf32, #tpu.memory_space<hbm>> -> memref<64x256xf32, #tpu.memory_space<hbm>>
    tpu.wait_dma2 semaphore(%arg20 : memref<!tpu.dma_semaphore, #tpu.memory_space<semaphore_mem>>) src(%arg8 : memref<64x256xf32, #tpu.memory_space<vmem>>) dst(%dma_wait3A_153 : memref<64x256xf32, #tpu.memory_space<hbm>>)
    %dma_start3A_154 = arith.constant 512 : i32
    %dma_start3A_155 = tpu.memref_slice %arg5[%dma_start3A_154] : memref<1024xi32, #tpu.memory_space<vmem>> -> memref<64xi32, #tpu.memory_space<vmem>>
    %dma_start3A_156 = arith.constant 0 : i32
    %dma_start3A_157 = arith.constant 0 : i32
    %dma_start3A_158 = tpu.memref_slice %arg3[%dma_start3A_156, %dma_start3A_157] : memref<8192x256xf32, #tpu.memory_space<hbm>> -> memref<8192x256xf32, #tpu.memory_space<hbm>>
    tpu.enqueue_indirect_dma source(%dma_start3A_158 : memref<8192x256xf32, #tpu.memory_space<hbm>>) target(%arg8 : memref<64x256xf32, #tpu.memory_space<vmem>>) offsets(%dma_start3A_155 : memref<64xi32, #tpu.memory_space<vmem>>) semaphore(%arg14 : memref<!tpu.dma_semaphore, #tpu.memory_space<semaphore_mem>>)
    %dma_wait3A_159 = arith.constant 448 : i32
    %dma_wait3A_160 = tpu.memref_slice %arg5[%dma_wait3A_159] : memref<1024xi32, #tpu.memory_space<vmem>> -> memref<64xi32, #tpu.memory_space<vmem>>
    %dma_wait3A_161 = arith.constant 0 : i32
    %dma_wait3A_162 = arith.constant 0 : i32
    %dma_wait3A_163 = tpu.memref_slice %arg3[%dma_wait3A_161, %dma_wait3A_162] : memref<8192x256xf32, #tpu.memory_space<hbm>> -> memref<8192x256xf32, #tpu.memory_space<hbm>>
    tpu.wait_indirect_dma semaphore(%arg13 : memref<!tpu.dma_semaphore, #tpu.memory_space<semaphore_mem>>) src(%dma_wait3A_163 : memref<8192x256xf32, #tpu.memory_space<hbm>>) dst(%arg7 : memref<64x256xf32, #tpu.memory_space<vmem>>)
    %dma_start3A_164 = arith.constant 448 : i32
    %dma_start3A_165 = arith.constant 0 : i32
    %dma_start3A_166 = tpu.memref_slice %arg4[%add3A, %dma_start3A_164, %dma_start3A_165] : memref<32x1024x256xf32, #tpu.memory_space<hbm>> -> memref<1x64x256xf32, #tpu.memory_space<hbm>>
    %dma_start3A_167 = tpu.memref_squeeze %dma_start3A_166 : memref<1x64x256xf32, #tpu.memory_space<hbm>> -> memref<64x256xf32, #tpu.memory_space<hbm>>
    %dma_start3A_168 = arith.constant 448 : i32
    %dma_start3A_169 = arith.constant 0 : i32
    %dma_start3A_170 = tpu.memref_slice %arg4[%add3A, %dma_start3A_168, %dma_start3A_169] : memref<32x1024x256xf32, #tpu.memory_space<hbm>> -> memref<1x64x256xf32, #tpu.memory_space<hbm>>
    %dma_start3A_171 = tpu.memref_squeeze %dma_start3A_170 : memref<1x64x256xf32, #tpu.memory_space<hbm>> -> memref<64x256xf32, #tpu.memory_space<hbm>>
    tpu.enqueue_dma source(%arg7 : memref<64x256xf32, #tpu.memory_space<vmem>>) target(%dma_start3A_171 : memref<64x256xf32, #tpu.memory_space<hbm>>) target_semaphore(%arg19 : memref<!tpu.dma_semaphore, #tpu.memory_space<semaphore_mem>>)
    %dma_wait3A_172 = arith.constant 192 : i32
    %dma_wait3A_173 = arith.constant 0 : i32
    %dma_wait3A_174 = tpu.memref_slice %arg4[%add3A, %dma_wait3A_172, %dma_wait3A_173] : memref<32x1024x256xf32, #tpu.memory_space<hbm>> -> memref<1x64x256xf32, #tpu.memory_space<hbm>>
    %dma_wait3A_175 = tpu.memref_squeeze %dma_wait3A_174 : memref<1x64x256xf32, #tpu.memory_space<hbm>> -> memref<64x256xf32, #tpu.memory_space<hbm>>
    %dma_wait3A_176 = arith.constant 192 : i32
    %dma_wait3A_177 = arith.constant 0 : i32
    %dma_wait3A_178 = tpu.memref_slice %arg4[%add3A, %dma_wait3A_176, %dma_wait3A_177] : memref<32x1024x256xf32, #tpu.memory_space<hbm>> -> memref<1x64x256xf32, #tpu.memory_space<hbm>>
    %dma_wait3A_179 = tpu.memref_squeeze %dma_wait3A_178 : memref<1x64x256xf32, #tpu.memory_space<hbm>> -> memref<64x256xf32, #tpu.memory_space<hbm>>
    tpu.wait_dma2 semaphore(%arg21 : memref<!tpu.dma_semaphore, #tpu.memory_space<semaphore_mem>>) src(%arg9 : memref<64x256xf32, #tpu.memory_space<vmem>>) dst(%dma_wait3A_179 : memref<64x256xf32, #tpu.memory_space<hbm>>)
    %dma_start3A_180 = arith.constant 576 : i32
    %dma_start3A_181 = tpu.memref_slice %arg5[%dma_start3A_180] : memref<1024xi32, #tpu.memory_space<vmem>> -> memref<64xi32, #tpu.memory_space<vmem>>
    %dma_start3A_182 = arith.constant 0 : i32
    %dma_start3A_183 = arith.constant 0 : i32
    %dma_start3A_184 = tpu.memref_slice %arg3[%dma_start3A_182, %dma_start3A_183] : memref<8192x256xf32, #tpu.memory_space<hbm>> -> memref<8192x256xf32, #tpu.memory_space<hbm>>
    tpu.enqueue_indirect_dma source(%dma_start3A_184 : memref<8192x256xf32, #tpu.memory_space<hbm>>) target(%arg9 : memref<64x256xf32, #tpu.memory_space<vmem>>) offsets(%dma_start3A_181 : memref<64xi32, #tpu.memory_space<vmem>>) semaphore(%arg15 : memref<!tpu.dma_semaphore, #tpu.memory_space<semaphore_mem>>)
    %dma_wait3A_185 = arith.constant 512 : i32
    %dma_wait3A_186 = tpu.memref_slice %arg5[%dma_wait3A_185] : memref<1024xi32, #tpu.memory_space<vmem>> -> memref<64xi32, #tpu.memory_space<vmem>>
    %dma_wait3A_187 = arith.constant 0 : i32
    %dma_wait3A_188 = arith.constant 0 : i32
    %dma_wait3A_189 = tpu.memref_slice %arg3[%dma_wait3A_187, %dma_wait3A_188] : memref<8192x256xf32, #tpu.memory_space<hbm>> -> memref<8192x256xf32, #tpu.memory_space<hbm>>
    tpu.wait_indirect_dma semaphore(%arg14 : memref<!tpu.dma_semaphore, #tpu.memory_space<semaphore_mem>>) src(%dma_wait3A_189 : memref<8192x256xf32, #tpu.memory_space<hbm>>) dst(%arg8 : memref<64x256xf32, #tpu.memory_space<vmem>>)
    %dma_start3A_190 = arith.constant 512 : i32
    %dma_start3A_191 = arith.constant 0 : i32
    %dma_start3A_192 = tpu.memref_slice %arg4[%add3A, %dma_start3A_190, %dma_start3A_191] : memref<32x1024x256xf32, #tpu.memory_space<hbm>> -> memref<1x64x256xf32, #tpu.memory_space<hbm>>
    %dma_start3A_193 = tpu.memref_squeeze %dma_start3A_192 : memref<1x64x256xf32, #tpu.memory_space<hbm>> -> memref<64x256xf32, #tpu.memory_space<hbm>>
    %dma_start3A_194 = arith.constant 512 : i32
    %dma_start3A_195 = arith.constant 0 : i32
    %dma_start3A_196 = tpu.memref_slice %arg4[%add3A, %dma_start3A_194, %dma_start3A_195] : memref<32x1024x256xf32, #tpu.memory_space<hbm>> -> memref<1x64x256xf32, #tpu.memory_space<hbm>>
    %dma_start3A_197 = tpu.memref_squeeze %dma_start3A_196 : memref<1x64x256xf32, #tpu.memory_space<hbm>> -> memref<64x256xf32, #tpu.memory_space<hbm>>
    tpu.enqueue_dma source(%arg8 : memref<64x256xf32, #tpu.memory_space<vmem>>) target(%dma_start3A_197 : memref<64x256xf32, #tpu.memory_space<hbm>>) target_semaphore(%arg20 : memref<!tpu.dma_semaphore, #tpu.memory_space<semaphore_mem>>)
    %dma_wait3A_198 = arith.constant 256 : i32
    %dma_wait3A_199 = arith.constant 0 : i32
    %dma_wait3A_200 = tpu.memref_slice %arg4[%add3A, %dma_wait3A_198, %dma_wait3A_199] : memref<32x1024x256xf32, #tpu.memory_space<hbm>> -> memref<1x64x256xf32, #tpu.memory_space<hbm>>
    %dma_wait3A_201 = tpu.memref_squeeze %dma_wait3A_200 : memref<1x64x256xf32, #tpu.memory_space<hbm>> -> memref<64x256xf32, #tpu.memory_space<hbm>>
    %dma_wait3A_202 = arith.constant 256 : i32
    %dma_wait3A_203 = arith.constant 0 : i32
    %dma_wait3A_204 = tpu.memref_slice %arg4[%add3A, %dma_wait3A_202, %dma_wait3A_203] : memref<32x1024x256xf32, #tpu.memory_space<hbm>> -> memref<1x64x256xf32, #tpu.memory_space<hbm>>
    %dma_wait3A_205 = tpu.memref_squeeze %dma_wait3A_204 : memref<1x64x256xf32, #tpu.memory_space<hbm>> -> memref<64x256xf32, #tpu.memory_space<hbm>>
    tpu.wait_dma2 semaphore(%arg22 : memref<!tpu.dma_semaphore, #tpu.memory_space<semaphore_mem>>) src(%arg10 : memref<64x256xf32, #tpu.memory_space<vmem>>) dst(%dma_wait3A_205 : memref<64x256xf32, #tpu.memory_space<hbm>>)
    %dma_start3A_206 = arith.constant 640 : i32
    %dma_start3A_207 = tpu.memref_slice %arg5[%dma_start3A_206] : memref<1024xi32, #tpu.memory_space<vmem>> -> memref<64xi32, #tpu.memory_space<vmem>>
    %dma_start3A_208 = arith.constant 0 : i32
    %dma_start3A_209 = arith.constant 0 : i32
    %dma_start3A_210 = tpu.memref_slice %arg3[%dma_start3A_208, %dma_start3A_209] : memref<8192x256xf32, #tpu.memory_space<hbm>> -> memref<8192x256xf32, #tpu.memory_space<hbm>>
    tpu.enqueue_indirect_dma source(%dma_start3A_210 : memref<8192x256xf32, #tpu.memory_space<hbm>>) target(%arg10 : memref<64x256xf32, #tpu.memory_space<vmem>>) offsets(%dma_start3A_207 : memref<64xi32, #tpu.memory_space<vmem>>) semaphore(%arg16 : memref<!tpu.dma_semaphore, #tpu.memory_space<semaphore_mem>>)
    %dma_wait3A_211 = arith.constant 576 : i32
    %dma_wait3A_212 = tpu.memref_slice %arg5[%dma_wait3A_211] : memref<1024xi32, #tpu.memory_space<vmem>> -> memref<64xi32, #tpu.memory_space<vmem>>
    %dma_wait3A_213 = arith.constant 0 : i32
    %dma_wait3A_214 = arith.constant 0 : i32
    %dma_wait3A_215 = tpu.memref_slice %arg3[%dma_wait3A_213, %dma_wait3A_214] : memref<8192x256xf32, #tpu.memory_space<hbm>> -> memref<8192x256xf32, #tpu.memory_space<hbm>>
    tpu.wait_indirect_dma semaphore(%arg15 : memref<!tpu.dma_semaphore, #tpu.memory_space<semaphore_mem>>) src(%dma_wait3A_215 : memref<8192x256xf32, #tpu.memory_space<hbm>>) dst(%arg9 : memref<64x256xf32, #tpu.memory_space<vmem>>)
    %dma_start3A_216 = arith.constant 576 : i32
    %dma_start3A_217 = arith.constant 0 : i32
    %dma_start3A_218 = tpu.memref_slice %arg4[%add3A, %dma_start3A_216, %dma_start3A_217] : memref<32x1024x256xf32, #tpu.memory_space<hbm>> -> memref<1x64x256xf32, #tpu.memory_space<hbm>>
    %dma_start3A_219 = tpu.memref_squeeze %dma_start3A_218 : memref<1x64x256xf32, #tpu.memory_space<hbm>> -> memref<64x256xf32, #tpu.memory_space<hbm>>
    %dma_start3A_220 = arith.constant 576 : i32
    %dma_start3A_221 = arith.constant 0 : i32
    %dma_start3A_222 = tpu.memref_slice %arg4[%add3A, %dma_start3A_220, %dma_start3A_221] : memref<32x1024x256xf32, #tpu.memory_space<hbm>> -> memref<1x64x256xf32, #tpu.memory_space<hbm>>
    %dma_start3A_223 = tpu.memref_squeeze %dma_start3A_222 : memref<1x64x256xf32, #tpu.memory_space<hbm>> -> memref<64x256xf32, #tpu.memory_space<hbm>>
    tpu.enqueue_dma source(%arg9 : memref<64x256xf32, #tpu.memory_space<vmem>>) target(%dma_start3A_223 : memref<64x256xf32, #tpu.memory_space<hbm>>) target_semaphore(%arg21 : memref<!tpu.dma_semaphore, #tpu.memory_space<semaphore_mem>>)
    %dma_wait3A_224 = arith.constant 320 : i32
    %dma_wait3A_225 = arith.constant 0 : i32
    %dma_wait3A_226 = tpu.memref_slice %arg4[%add3A, %dma_wait3A_224, %dma_wait3A_225] : memref<32x1024x256xf32, #tpu.memory_space<hbm>> -> memref<1x64x256xf32, #tpu.memory_space<hbm>>
    %dma_wait3A_227 = tpu.memref_squeeze %dma_wait3A_226 : memref<1x64x256xf32, #tpu.memory_space<hbm>> -> memref<64x256xf32, #tpu.memory_space<hbm>>
    %dma_wait3A_228 = arith.constant 320 : i32
    %dma_wait3A_229 = arith.constant 0 : i32
    %dma_wait3A_230 = tpu.memref_slice %arg4[%add3A, %dma_wait3A_228, %dma_wait3A_229] : memref<32x1024x256xf32, #tpu.memory_space<hbm>> -> memref<1x64x256xf32, #tpu.memory_space<hbm>>
    %dma_wait3A_231 = tpu.memref_squeeze %dma_wait3A_230 : memref<1x64x256xf32, #tpu.memory_space<hbm>> -> memref<64x256xf32, #tpu.memory_space<hbm>>
    tpu.wait_dma2 semaphore(%arg23 : memref<!tpu.dma_semaphore, #tpu.memory_space<semaphore_mem>>) src(%arg11 : memref<64x256xf32, #tpu.memory_space<vmem>>) dst(%dma_wait3A_231 : memref<64x256xf32, #tpu.memory_space<hbm>>)
    %dma_start3A_232 = arith.constant 704 : i32
    %dma_start3A_233 = tpu.memref_slice %arg5[%dma_start3A_232] : memref<1024xi32, #tpu.memory_space<vmem>> -> memref<64xi32, #tpu.memory_space<vmem>>
    %dma_start3A_234 = arith.constant 0 : i32
    %dma_start3A_235 = arith.constant 0 : i32
    %dma_start3A_236 = tpu.memref_slice %arg3[%dma_start3A_234, %dma_start3A_235] : memref<8192x256xf32, #tpu.memory_space<hbm>> -> memref<8192x256xf32, #tpu.memory_space<hbm>>
    tpu.enqueue_indirect_dma source(%dma_start3A_236 : memref<8192x256xf32, #tpu.memory_space<hbm>>) target(%arg11 : memref<64x256xf32, #tpu.memory_space<vmem>>) offsets(%dma_start3A_233 : memref<64xi32, #tpu.memory_space<vmem>>) semaphore(%arg17 : memref<!tpu.dma_semaphore, #tpu.memory_space<semaphore_mem>>)
    %dma_wait3A_237 = arith.constant 640 : i32
    %dma_wait3A_238 = tpu.memref_slice %arg5[%dma_wait3A_237] : memref<1024xi32, #tpu.memory_space<vmem>> -> memref<64xi32, #tpu.memory_space<vmem>>
    %dma_wait3A_239 = arith.constant 0 : i32
    %dma_wait3A_240 = arith.constant 0 : i32
    %dma_wait3A_241 = tpu.memref_slice %arg3[%dma_wait3A_239, %dma_wait3A_240] : memref<8192x256xf32, #tpu.memory_space<hbm>> -> memref<8192x256xf32, #tpu.memory_space<hbm>>
    tpu.wait_indirect_dma semaphore(%arg16 : memref<!tpu.dma_semaphore, #tpu.memory_space<semaphore_mem>>) src(%dma_wait3A_241 : memref<8192x256xf32, #tpu.memory_space<hbm>>) dst(%arg10 : memref<64x256xf32, #tpu.memory_space<vmem>>)
    %dma_start3A_242 = arith.constant 640 : i32
    %dma_start3A_243 = arith.constant 0 : i32
    %dma_start3A_244 = tpu.memref_slice %arg4[%add3A, %dma_start3A_242, %dma_start3A_243] : memref<32x1024x256xf32, #tpu.memory_space<hbm>> -> memref<1x64x256xf32, #tpu.memory_space<hbm>>
    %dma_start3A_245 = tpu.memref_squeeze %dma_start3A_244 : memref<1x64x256xf32, #tpu.memory_space<hbm>> -> memref<64x256xf32, #tpu.memory_space<hbm>>
    %dma_start3A_246 = arith.constant 640 : i32
    %dma_start3A_247 = arith.constant 0 : i32
    %dma_start3A_248 = tpu.memref_slice %arg4[%add3A, %dma_start3A_246, %dma_start3A_247] : memref<32x1024x256xf32, #tpu.memory_space<hbm>> -> memref<1x64x256xf32, #tpu.memory_space<hbm>>
    %dma_start3A_249 = tpu.memref_squeeze %dma_start3A_248 : memref<1x64x256xf32, #tpu.memory_space<hbm>> -> memref<64x256xf32, #tpu.memory_space<hbm>>
    tpu.enqueue_dma source(%arg10 : memref<64x256xf32, #tpu.memory_space<vmem>>) target(%dma_start3A_249 : memref<64x256xf32, #tpu.memory_space<hbm>>) target_semaphore(%arg22 : memref<!tpu.dma_semaphore, #tpu.memory_space<semaphore_mem>>)
    %dma_wait3A_250 = arith.constant 384 : i32
    %dma_wait3A_251 = arith.constant 0 : i32
    %dma_wait3A_252 = tpu.memref_slice %arg4[%add3A, %dma_wait3A_250, %dma_wait3A_251] : memref<32x1024x256xf32, #tpu.memory_space<hbm>> -> memref<1x64x256xf32, #tpu.memory_space<hbm>>
    %dma_wait3A_253 = tpu.memref_squeeze %dma_wait3A_252 : memref<1x64x256xf32, #tpu.memory_space<hbm>> -> memref<64x256xf32, #tpu.memory_space<hbm>>
    %dma_wait3A_254 = arith.constant 384 : i32
    %dma_wait3A_255 = arith.constant 0 : i32
    %dma_wait3A_256 = tpu.memref_slice %arg4[%add3A, %dma_wait3A_254, %dma_wait3A_255] : memref<32x1024x256xf32, #tpu.memory_space<hbm>> -> memref<1x64x256xf32, #tpu.memory_space<hbm>>
    %dma_wait3A_257 = tpu.memref_squeeze %dma_wait3A_256 : memref<1x64x256xf32, #tpu.memory_space<hbm>> -> memref<64x256xf32, #tpu.memory_space<hbm>>
    tpu.wait_dma2 semaphore(%arg18 : memref<!tpu.dma_semaphore, #tpu.memory_space<semaphore_mem>>) src(%arg6 : memref<64x256xf32, #tpu.memory_space<vmem>>) dst(%dma_wait3A_257 : memref<64x256xf32, #tpu.memory_space<hbm>>)
    %dma_start3A_258 = arith.constant 768 : i32
    %dma_start3A_259 = tpu.memref_slice %arg5[%dma_start3A_258] : memref<1024xi32, #tpu.memory_space<vmem>> -> memref<64xi32, #tpu.memory_space<vmem>>
    %dma_start3A_260 = arith.constant 0 : i32
    %dma_start3A_261 = arith.constant 0 : i32
    %dma_start3A_262 = tpu.memref_slice %arg3[%dma_start3A_260, %dma_start3A_261] : memref<8192x256xf32, #tpu.memory_space<hbm>> -> memref<8192x256xf32, #tpu.memory_space<hbm>>
    tpu.enqueue_indirect_dma source(%dma_start3A_262 : memref<8192x256xf32, #tpu.memory_space<hbm>>) target(%arg6 : memref<64x256xf32, #tpu.memory_space<vmem>>) offsets(%dma_start3A_259 : memref<64xi32, #tpu.memory_space<vmem>>) semaphore(%arg12 : memref<!tpu.dma_semaphore, #tpu.memory_space<semaphore_mem>>)
    %dma_wait3A_263 = arith.constant 704 : i32
    %dma_wait3A_264 = tpu.memref_slice %arg5[%dma_wait3A_263] : memref<1024xi32, #tpu.memory_space<vmem>> -> memref<64xi32, #tpu.memory_space<vmem>>
    %dma_wait3A_265 = arith.constant 0 : i32
    %dma_wait3A_266 = arith.constant 0 : i32
    %dma_wait3A_267 = tpu.memref_slice %arg3[%dma_wait3A_265, %dma_wait3A_266] : memref<8192x256xf32, #tpu.memory_space<hbm>> -> memref<8192x256xf32, #tpu.memory_space<hbm>>
    tpu.wait_indirect_dma semaphore(%arg17 : memref<!tpu.dma_semaphore, #tpu.memory_space<semaphore_mem>>) src(%dma_wait3A_267 : memref<8192x256xf32, #tpu.memory_space<hbm>>) dst(%arg11 : memref<64x256xf32, #tpu.memory_space<vmem>>)
    %dma_start3A_268 = arith.constant 704 : i32
    %dma_start3A_269 = arith.constant 0 : i32
    %dma_start3A_270 = tpu.memref_slice %arg4[%add3A, %dma_start3A_268, %dma_start3A_269] : memref<32x1024x256xf32, #tpu.memory_space<hbm>> -> memref<1x64x256xf32, #tpu.memory_space<hbm>>
    %dma_start3A_271 = tpu.memref_squeeze %dma_start3A_270 : memref<1x64x256xf32, #tpu.memory_space<hbm>> -> memref<64x256xf32, #tpu.memory_space<hbm>>
    %dma_start3A_272 = arith.constant 704 : i32
    %dma_start3A_273 = arith.constant 0 : i32
    %dma_start3A_274 = tpu.memref_slice %arg4[%add3A, %dma_start3A_272, %dma_start3A_273] : memref<32x1024x256xf32, #tpu.memory_space<hbm>> -> memref<1x64x256xf32, #tpu.memory_space<hbm>>
    %dma_start3A_275 = tpu.memref_squeeze %dma_start3A_274 : memref<1x64x256xf32, #tpu.memory_space<hbm>> -> memref<64x256xf32, #tpu.memory_space<hbm>>
    tpu.enqueue_dma source(%arg11 : memref<64x256xf32, #tpu.memory_space<vmem>>) target(%dma_start3A_275 : memref<64x256xf32, #tpu.memory_space<hbm>>) target_semaphore(%arg23 : memref<!tpu.dma_semaphore, #tpu.memory_space<semaphore_mem>>)
    %dma_wait3A_276 = arith.constant 448 : i32
    %dma_wait3A_277 = arith.constant 0 : i32
    %dma_wait3A_278 = tpu.memref_slice %arg4[%add3A, %dma_wait3A_276, %dma_wait3A_277] : memref<32x1024x256xf32, #tpu.memory_space<hbm>> -> memref<1x64x256xf32, #tpu.memory_space<hbm>>
    %dma_wait3A_279 = tpu.memref_squeeze %dma_wait3A_278 : memref<1x64x256xf32, #tpu.memory_space<hbm>> -> memref<64x256xf32, #tpu.memory_space<hbm>>
    %dma_wait3A_280 = arith.constant 448 : i32
    %dma_wait3A_281 = arith.constant 0 : i32
    %dma_wait3A_282 = tpu.memref_slice %arg4[%add3A, %dma_wait3A_280, %dma_wait3A_281] : memref<32x1024x256xf32, #tpu.memory_space<hbm>> -> memref<1x64x256xf32, #tpu.memory_space<hbm>>
    %dma_wait3A_283 = tpu.memref_squeeze %dma_wait3A_282 : memref<1x64x256xf32, #tpu.memory_space<hbm>> -> memref<64x256xf32, #tpu.memory_space<hbm>>
    tpu.wait_dma2 semaphore(%arg19 : memref<!tpu.dma_semaphore, #tpu.memory_space<semaphore_mem>>) src(%arg7 : memref<64x256xf32, #tpu.memory_space<vmem>>) dst(%dma_wait3A_283 : memref<64x256xf32, #tpu.memory_space<hbm>>)
    %dma_start3A_284 = arith.constant 832 : i32
    %dma_start3A_285 = tpu.memref_slice %arg5[%dma_start3A_284] : memref<1024xi32, #tpu.memory_space<vmem>> -> memref<64xi32, #tpu.memory_space<vmem>>
    %dma_start3A_286 = arith.constant 0 : i32
    %dma_start3A_287 = arith.constant 0 : i32
    %dma_start3A_288 = tpu.memref_slice %arg3[%dma_start3A_286, %dma_start3A_287] : memref<8192x256xf32, #tpu.memory_space<hbm>> -> memref<8192x256xf32, #tpu.memory_space<hbm>>
    tpu.enqueue_indirect_dma source(%dma_start3A_288 : memref<8192x256xf32, #tpu.memory_space<hbm>>) target(%arg7 : memref<64x256xf32, #tpu.memory_space<vmem>>) offsets(%dma_start3A_285 : memref<64xi32, #tpu.memory_space<vmem>>) semaphore(%arg13 : memref<!tpu.dma_semaphore, #tpu.memory_space<semaphore_mem>>)
    %dma_wait3A_289 = arith.constant 768 : i32
    %dma_wait3A_290 = tpu.memref_slice %arg5[%dma_wait3A_289] : memref<1024xi32, #tpu.memory_space<vmem>> -> memref<64xi32, #tpu.memory_space<vmem>>
    %dma_wait3A_291 = arith.constant 0 : i32
    %dma_wait3A_292 = arith.constant 0 : i32
    %dma_wait3A_293 = tpu.memref_slice %arg3[%dma_wait3A_291, %dma_wait3A_292] : memref<8192x256xf32, #tpu.memory_space<hbm>> -> memref<8192x256xf32, #tpu.memory_space<hbm>>
    tpu.wait_indirect_dma semaphore(%arg12 : memref<!tpu.dma_semaphore, #tpu.memory_space<semaphore_mem>>) src(%dma_wait3A_293 : memref<8192x256xf32, #tpu.memory_space<hbm>>) dst(%arg6 : memref<64x256xf32, #tpu.memory_space<vmem>>)
    %dma_start3A_294 = arith.constant 768 : i32
    %dma_start3A_295 = arith.constant 0 : i32
    %dma_start3A_296 = tpu.memref_slice %arg4[%add3A, %dma_start3A_294, %dma_start3A_295] : memref<32x1024x256xf32, #tpu.memory_space<hbm>> -> memref<1x64x256xf32, #tpu.memory_space<hbm>>
    %dma_start3A_297 = tpu.memref_squeeze %dma_start3A_296 : memref<1x64x256xf32, #tpu.memory_space<hbm>> -> memref<64x256xf32, #tpu.memory_space<hbm>>
    %dma_start3A_298 = arith.constant 768 : i32
    %dma_start3A_299 = arith.constant 0 : i32
    %dma_start3A_300 = tpu.memref_slice %arg4[%add3A, %dma_start3A_298, %dma_start3A_299] : memref<32x1024x256xf32, #tpu.memory_space<hbm>> -> memref<1x64x256xf32, #tpu.memory_space<hbm>>
    %dma_start3A_301 = tpu.memref_squeeze %dma_start3A_300 : memref<1x64x256xf32, #tpu.memory_space<hbm>> -> memref<64x256xf32, #tpu.memory_space<hbm>>
    tpu.enqueue_dma source(%arg6 : memref<64x256xf32, #tpu.memory_space<vmem>>) target(%dma_start3A_301 : memref<64x256xf32, #tpu.memory_space<hbm>>) target_semaphore(%arg18 : memref<!tpu.dma_semaphore, #tpu.memory_space<semaphore_mem>>)
    %dma_wait3A_302 = arith.constant 512 : i32
    %dma_wait3A_303 = arith.constant 0 : i32
    %dma_wait3A_304 = tpu.memref_slice %arg4[%add3A, %dma_wait3A_302, %dma_wait3A_303] : memref<32x1024x256xf32, #tpu.memory_space<hbm>> -> memref<1x64x256xf32, #tpu.memory_space<hbm>>
    %dma_wait3A_305 = tpu.memref_squeeze %dma_wait3A_304 : memref<1x64x256xf32, #tpu.memory_space<hbm>> -> memref<64x256xf32, #tpu.memory_space<hbm>>
    %dma_wait3A_306 = arith.constant 512 : i32
    %dma_wait3A_307 = arith.constant 0 : i32
    %dma_wait3A_308 = tpu.memref_slice %arg4[%add3A, %dma_wait3A_306, %dma_wait3A_307] : memref<32x1024x256xf32, #tpu.memory_space<hbm>> -> memref<1x64x256xf32, #tpu.memory_space<hbm>>
    %dma_wait3A_309 = tpu.memref_squeeze %dma_wait3A_308 : memref<1x64x256xf32, #tpu.memory_space<hbm>> -> memref<64x256xf32, #tpu.memory_space<hbm>>
    tpu.wait_dma2 semaphore(%arg20 : memref<!tpu.dma_semaphore, #tpu.memory_space<semaphore_mem>>) src(%arg8 : memref<64x256xf32, #tpu.memory_space<vmem>>) dst(%dma_wait3A_309 : memref<64x256xf32, #tpu.memory_space<hbm>>)
    %dma_start3A_310 = arith.constant 896 : i32
    %dma_start3A_311 = tpu.memref_slice %arg5[%dma_start3A_310] : memref<1024xi32, #tpu.memory_space<vmem>> -> memref<64xi32, #tpu.memory_space<vmem>>
    %dma_start3A_312 = arith.constant 0 : i32
    %dma_start3A_313 = arith.constant 0 : i32
    %dma_start3A_314 = tpu.memref_slice %arg3[%dma_start3A_312, %dma_start3A_313] : memref<8192x256xf32, #tpu.memory_space<hbm>> -> memref<8192x256xf32, #tpu.memory_space<hbm>>
    tpu.enqueue_indirect_dma source(%dma_start3A_314 : memref<8192x256xf32, #tpu.memory_space<hbm>>) target(%arg8 : memref<64x256xf32, #tpu.memory_space<vmem>>) offsets(%dma_start3A_311 : memref<64xi32, #tpu.memory_space<vmem>>) semaphore(%arg14 : memref<!tpu.dma_semaphore, #tpu.memory_space<semaphore_mem>>)
    %dma_wait3A_315 = arith.constant 832 : i32
    %dma_wait3A_316 = tpu.memref_slice %arg5[%dma_wait3A_315] : memref<1024xi32, #tpu.memory_space<vmem>> -> memref<64xi32, #tpu.memory_space<vmem>>
    %dma_wait3A_317 = arith.constant 0 : i32
    %dma_wait3A_318 = arith.constant 0 : i32
    %dma_wait3A_319 = tpu.memref_slice %arg3[%dma_wait3A_317, %dma_wait3A_318] : memref<8192x256xf32, #tpu.memory_space<hbm>> -> memref<8192x256xf32, #tpu.memory_space<hbm>>
    tpu.wait_indirect_dma semaphore(%arg13 : memref<!tpu.dma_semaphore, #tpu.memory_space<semaphore_mem>>) src(%dma_wait3A_319 : memref<8192x256xf32, #tpu.memory_space<hbm>>) dst(%arg7 : memref<64x256xf32, #tpu.memory_space<vmem>>)
    %dma_start3A_320 = arith.constant 832 : i32
    %dma_start3A_321 = arith.constant 0 : i32
    %dma_start3A_322 = tpu.memref_slice %arg4[%add3A, %dma_start3A_320, %dma_start3A_321] : memref<32x1024x256xf32, #tpu.memory_space<hbm>> -> memref<1x64x256xf32, #tpu.memory_space<hbm>>
    %dma_start3A_323 = tpu.memref_squeeze %dma_start3A_322 : memref<1x64x256xf32, #tpu.memory_space<hbm>> -> memref<64x256xf32, #tpu.memory_space<hbm>>
    %dma_start3A_324 = arith.constant 832 : i32
    %dma_start3A_325 = arith.constant 0 : i32
    %dma_start3A_326 = tpu.memref_slice %arg4[%add3A, %dma_start3A_324, %dma_start3A_325] : memref<32x1024x256xf32, #tpu.memory_space<hbm>> -> memref<1x64x256xf32, #tpu.memory_space<hbm>>
    %dma_start3A_327 = tpu.memref_squeeze %dma_start3A_326 : memref<1x64x256xf32, #tpu.memory_space<hbm>> -> memref<64x256xf32, #tpu.memory_space<hbm>>
    tpu.enqueue_dma source(%arg7 : memref<64x256xf32, #tpu.memory_space<vmem>>) target(%dma_start3A_327 : memref<64x256xf32, #tpu.memory_space<hbm>>) target_semaphore(%arg19 : memref<!tpu.dma_semaphore, #tpu.memory_space<semaphore_mem>>)
    %dma_wait3A_328 = arith.constant 576 : i32
    %dma_wait3A_329 = arith.constant 0 : i32
    %dma_wait3A_330 = tpu.memref_slice %arg4[%add3A, %dma_wait3A_328, %dma_wait3A_329] : memref<32x1024x256xf32, #tpu.memory_space<hbm>> -> memref<1x64x256xf32, #tpu.memory_space<hbm>>
    %dma_wait3A_331 = tpu.memref_squeeze %dma_wait3A_330 : memref<1x64x256xf32, #tpu.memory_space<hbm>> -> memref<64x256xf32, #tpu.memory_space<hbm>>
    %dma_wait3A_332 = arith.constant 576 : i32
    %dma_wait3A_333 = arith.constant 0 : i32
    %dma_wait3A_334 = tpu.memref_slice %arg4[%add3A, %dma_wait3A_332, %dma_wait3A_333] : memref<32x1024x256xf32, #tpu.memory_space<hbm>> -> memref<1x64x256xf32, #tpu.memory_space<hbm>>
    %dma_wait3A_335 = tpu.memref_squeeze %dma_wait3A_334 : memref<1x64x256xf32, #tpu.memory_space<hbm>> -> memref<64x256xf32, #tpu.memory_space<hbm>>
    tpu.wait_dma2 semaphore(%arg21 : memref<!tpu.dma_semaphore, #tpu.memory_space<semaphore_mem>>) src(%arg9 : memref<64x256xf32, #tpu.memory_space<vmem>>) dst(%dma_wait3A_335 : memref<64x256xf32, #tpu.memory_space<hbm>>)
    %dma_start3A_336 = arith.constant 960 : i32
    %dma_start3A_337 = tpu.memref_slice %arg5[%dma_start3A_336] : memref<1024xi32, #tpu.memory_space<vmem>> -> memref<64xi32, #tpu.memory_space<vmem>>
    %dma_start3A_338 = arith.constant 0 : i32
    %dma_start3A_339 = arith.constant 0 : i32
    %dma_start3A_340 = tpu.memref_slice %arg3[%dma_start3A_338, %dma_start3A_339] : memref<8192x256xf32, #tpu.memory_space<hbm>> -> memref<8192x256xf32, #tpu.memory_space<hbm>>
    tpu.enqueue_indirect_dma source(%dma_start3A_340 : memref<8192x256xf32, #tpu.memory_space<hbm>>) target(%arg9 : memref<64x256xf32, #tpu.memory_space<vmem>>) offsets(%dma_start3A_337 : memref<64xi32, #tpu.memory_space<vmem>>) semaphore(%arg15 : memref<!tpu.dma_semaphore, #tpu.memory_space<semaphore_mem>>)
    %dma_wait3A_341 = arith.constant 896 : i32
    %dma_wait3A_342 = tpu.memref_slice %arg5[%dma_wait3A_341] : memref<1024xi32, #tpu.memory_space<vmem>> -> memref<64xi32, #tpu.memory_space<vmem>>
    %dma_wait3A_343 = arith.constant 0 : i32
    %dma_wait3A_344 = arith.constant 0 : i32
    %dma_wait3A_345 = tpu.memref_slice %arg3[%dma_wait3A_343, %dma_wait3A_344] : memref<8192x256xf32, #tpu.memory_space<hbm>> -> memref<8192x256xf32, #tpu.memory_space<hbm>>
    tpu.wait_indirect_dma semaphore(%arg14 : memref<!tpu.dma_semaphore, #tpu.memory_space<semaphore_mem>>) src(%dma_wait3A_345 : memref<8192x256xf32, #tpu.memory_space<hbm>>) dst(%arg8 : memref<64x256xf32, #tpu.memory_space<vmem>>)
    %dma_start3A_346 = arith.constant 896 : i32
    %dma_start3A_347 = arith.constant 0 : i32
    %dma_start3A_348 = tpu.memref_slice %arg4[%add3A, %dma_start3A_346, %dma_start3A_347] : memref<32x1024x256xf32, #tpu.memory_space<hbm>> -> memref<1x64x256xf32, #tpu.memory_space<hbm>>
    %dma_start3A_349 = tpu.memref_squeeze %dma_start3A_348 : memref<1x64x256xf32, #tpu.memory_space<hbm>> -> memref<64x256xf32, #tpu.memory_space<hbm>>
    %dma_start3A_350 = arith.constant 896 : i32
    %dma_start3A_351 = arith.constant 0 : i32
    %dma_start3A_352 = tpu.memref_slice %arg4[%add3A, %dma_start3A_350, %dma_start3A_351] : memref<32x1024x256xf32, #tpu.memory_space<hbm>> -> memref<1x64x256xf32, #tpu.memory_space<hbm>>
    %dma_start3A_353 = tpu.memref_squeeze %dma_start3A_352 : memref<1x64x256xf32, #tpu.memory_space<hbm>> -> memref<64x256xf32, #tpu.memory_space<hbm>>
    tpu.enqueue_dma source(%arg8 : memref<64x256xf32, #tpu.memory_space<vmem>>) target(%dma_start3A_353 : memref<64x256xf32, #tpu.memory_space<hbm>>) target_semaphore(%arg20 : memref<!tpu.dma_semaphore, #tpu.memory_space<semaphore_mem>>)
    %dma_wait3A_354 = arith.constant 960 : i32
    %dma_wait3A_355 = tpu.memref_slice %arg5[%dma_wait3A_354] : memref<1024xi32, #tpu.memory_space<vmem>> -> memref<64xi32, #tpu.memory_space<vmem>>
    %dma_wait3A_356 = arith.constant 0 : i32
    %dma_wait3A_357 = arith.constant 0 : i32
    %dma_wait3A_358 = tpu.memref_slice %arg3[%dma_wait3A_356, %dma_wait3A_357] : memref<8192x256xf32, #tpu.memory_space<hbm>> -> memref<8192x256xf32, #tpu.memory_space<hbm>>
    tpu.wait_indirect_dma semaphore(%arg15 : memref<!tpu.dma_semaphore, #tpu.memory_space<semaphore_mem>>) src(%dma_wait3A_358 : memref<8192x256xf32, #tpu.memory_space<hbm>>) dst(%arg9 : memref<64x256xf32, #tpu.memory_space<vmem>>)
    %dma_start3A_359 = arith.constant 960 : i32
    %dma_start3A_360 = arith.constant 0 : i32
    %dma_start3A_361 = tpu.memref_slice %arg4[%add3A, %dma_start3A_359, %dma_start3A_360] : memref<32x1024x256xf32, #tpu.memory_space<hbm>> -> memref<1x64x256xf32, #tpu.memory_space<hbm>>
    %dma_start3A_362 = tpu.memref_squeeze %dma_start3A_361 : memref<1x64x256xf32, #tpu.memory_space<hbm>> -> memref<64x256xf32, #tpu.memory_space<hbm>>
    %dma_start3A_363 = arith.constant 960 : i32
    %dma_start3A_364 = arith.constant 0 : i32
    %dma_start3A_365 = tpu.memref_slice %arg4[%add3A, %dma_start3A_363, %dma_start3A_364] : memref<32x1024x256xf32, #tpu.memory_space<hbm>> -> memref<1x64x256xf32, #tpu.memory_space<hbm>>
    %dma_start3A_366 = tpu.memref_squeeze %dma_start3A_365 : memref<1x64x256xf32, #tpu.memory_space<hbm>> -> memref<64x256xf32, #tpu.memory_space<hbm>>
    tpu.enqueue_dma source(%arg9 : memref<64x256xf32, #tpu.memory_space<vmem>>) target(%dma_start3A_366 : memref<64x256xf32, #tpu.memory_space<hbm>>) target_semaphore(%arg21 : memref<!tpu.dma_semaphore, #tpu.memory_space<semaphore_mem>>)
    %dma_wait3A_367 = arith.constant 640 : i32
    %dma_wait3A_368 = arith.constant 0 : i32
    %dma_wait3A_369 = tpu.memref_slice %arg4[%add3A, %dma_wait3A_367, %dma_wait3A_368] : memref<32x1024x256xf32, #tpu.memory_space<hbm>> -> memref<1x64x256xf32, #tpu.memory_space<hbm>>
    %dma_wait3A_370 = tpu.memref_squeeze %dma_wait3A_369 : memref<1x64x256xf32, #tpu.memory_space<hbm>> -> memref<64x256xf32, #tpu.memory_space<hbm>>
    %dma_wait3A_371 = arith.constant 640 : i32
    %dma_wait3A_372 = arith.constant 0 : i32
    %dma_wait3A_373 = tpu.memref_slice %arg4[%add3A, %dma_wait3A_371, %dma_wait3A_372] : memref<32x1024x256xf32, #tpu.memory_space<hbm>> -> memref<1x64x256xf32, #tpu.memory_space<hbm>>
    %dma_wait3A_374 = tpu.memref_squeeze %dma_wait3A_373 : memref<1x64x256xf32, #tpu.memory_space<hbm>> -> memref<64x256xf32, #tpu.memory_space<hbm>>
    tpu.wait_dma2 semaphore(%arg22 : memref<!tpu.dma_semaphore, #tpu.memory_space<semaphore_mem>>) src(%arg10 : memref<64x256xf32, #tpu.memory_space<vmem>>) dst(%dma_wait3A_374 : memref<64x256xf32, #tpu.memory_space<hbm>>)
    %dma_wait3A_375 = arith.constant 704 : i32
    %dma_wait3A_376 = arith.constant 0 : i32
    %dma_wait3A_377 = tpu.memref_slice %arg4[%add3A, %dma_wait3A_375, %dma_wait3A_376] : memref<32x1024x256xf32, #tpu.memory_space<hbm>> -> memref<1x64x256xf32, #tpu.memory_space<hbm>>
    %dma_wait3A_378 = tpu.memref_squeeze %dma_wait3A_377 : memref<1x64x256xf32, #tpu.memory_space<hbm>> -> memref<64x256xf32, #tpu.memory_space<hbm>>
    %dma_wait3A_379 = arith.constant 704 : i32
    %dma_wait3A_380 = arith.constant 0 : i32
    %dma_wait3A_381 = tpu.memref_slice %arg4[%add3A, %dma_wait3A_379, %dma_wait3A_380] : memref<32x1024x256xf32, #tpu.memory_space<hbm>> -> memref<1x64x256xf32, #tpu.memory_space<hbm>>
    %dma_wait3A_382 = tpu.memref_squeeze %dma_wait3A_381 : memref<1x64x256xf32, #tpu.memory_space<hbm>> -> memref<64x256xf32, #tpu.memory_space<hbm>>
    tpu.wait_dma2 semaphore(%arg23 : memref<!tpu.dma_semaphore, #tpu.memory_space<semaphore_mem>>) src(%arg11 : memref<64x256xf32, #tpu.memory_space<vmem>>) dst(%dma_wait3A_382 : memref<64x256xf32, #tpu.memory_space<hbm>>)
    %dma_wait3A_383 = arith.constant 768 : i32
    %dma_wait3A_384 = arith.constant 0 : i32
    %dma_wait3A_385 = tpu.memref_slice %arg4[%add3A, %dma_wait3A_383, %dma_wait3A_384] : memref<32x1024x256xf32, #tpu.memory_space<hbm>> -> memref<1x64x256xf32, #tpu.memory_space<hbm>>
    %dma_wait3A_386 = tpu.memref_squeeze %dma_wait3A_385 : memref<1x64x256xf32, #tpu.memory_space<hbm>> -> memref<64x256xf32, #tpu.memory_space<hbm>>
    %dma_wait3A_387 = arith.constant 768 : i32
    %dma_wait3A_388 = arith.constant 0 : i32
    %dma_wait3A_389 = tpu.memref_slice %arg4[%add3A, %dma_wait3A_387, %dma_wait3A_388] : memref<32x1024x256xf32, #tpu.memory_space<hbm>> -> memref<1x64x256xf32, #tpu.memory_space<hbm>>
    %dma_wait3A_390 = tpu.memref_squeeze %dma_wait3A_389 : memref<1x64x256xf32, #tpu.memory_space<hbm>> -> memref<64x256xf32, #tpu.memory_space<hbm>>
    tpu.wait_dma2 semaphore(%arg18 : memref<!tpu.dma_semaphore, #tpu.memory_space<semaphore_mem>>) src(%arg6 : memref<64x256xf32, #tpu.memory_space<vmem>>) dst(%dma_wait3A_390 : memref<64x256xf32, #tpu.memory_space<hbm>>)
    %dma_wait3A_391 = arith.constant 832 : i32
    %dma_wait3A_392 = arith.constant 0 : i32
    %dma_wait3A_393 = tpu.memref_slice %arg4[%add3A, %dma_wait3A_391, %dma_wait3A_392] : memref<32x1024x256xf32, #tpu.memory_space<hbm>> -> memref<1x64x256xf32, #tpu.memory_space<hbm>>
    %dma_wait3A_394 = tpu.memref_squeeze %dma_wait3A_393 : memref<1x64x256xf32, #tpu.memory_space<hbm>> -> memref<64x256xf32, #tpu.memory_space<hbm>>
    %dma_wait3A_395 = arith.constant 832 : i32
    %dma_wait3A_396 = arith.constant 0 : i32
    %dma_wait3A_397 = tpu.memref_slice %arg4[%add3A, %dma_wait3A_395, %dma_wait3A_396] : memref<32x1024x256xf32, #tpu.memory_space<hbm>> -> memref<1x64x256xf32, #tpu.memory_space<hbm>>
    %dma_wait3A_398 = tpu.memref_squeeze %dma_wait3A_397 : memref<1x64x256xf32, #tpu.memory_space<hbm>> -> memref<64x256xf32, #tpu.memory_space<hbm>>
    tpu.wait_dma2 semaphore(%arg19 : memref<!tpu.dma_semaphore, #tpu.memory_space<semaphore_mem>>) src(%arg7 : memref<64x256xf32, #tpu.memory_space<vmem>>) dst(%dma_wait3A_398 : memref<64x256xf32, #tpu.memory_space<hbm>>)
    %dma_wait3A_399 = arith.constant 896 : i32
    %dma_wait3A_400 = arith.constant 0 : i32
    %dma_wait3A_401 = tpu.memref_slice %arg4[%add3A, %dma_wait3A_399, %dma_wait3A_400] : memref<32x1024x256xf32, #tpu.memory_space<hbm>> -> memref<1x64x256xf32, #tpu.memory_space<hbm>>
    %dma_wait3A_402 = tpu.memref_squeeze %dma_wait3A_401 : memref<1x64x256xf32, #tpu.memory_space<hbm>> -> memref<64x256xf32, #tpu.memory_space<hbm>>
    %dma_wait3A_403 = arith.constant 896 : i32
    %dma_wait3A_404 = arith.constant 0 : i32
    %dma_wait3A_405 = tpu.memref_slice %arg4[%add3A, %dma_wait3A_403, %dma_wait3A_404] : memref<32x1024x256xf32, #tpu.memory_space<hbm>> -> memref<1x64x256xf32, #tpu.memory_space<hbm>>
    %dma_wait3A_406 = tpu.memref_squeeze %dma_wait3A_405 : memref<1x64x256xf32, #tpu.memory_space<hbm>> -> memref<64x256xf32, #tpu.memory_space<hbm>>
    tpu.wait_dma2 semaphore(%arg20 : memref<!tpu.dma_semaphore, #tpu.memory_space<semaphore_mem>>) src(%arg8 : memref<64x256xf32, #tpu.memory_space<vmem>>) dst(%dma_wait3A_406 : memref<64x256xf32, #tpu.memory_space<hbm>>)
    %dma_wait3A_407 = arith.constant 960 : i32
    %dma_wait3A_408 = arith.constant 0 : i32
    %dma_wait3A_409 = tpu.memref_slice %arg4[%add3A, %dma_wait3A_407, %dma_wait3A_408] : memref<32x1024x256xf32, #tpu.memory_space<hbm>> -> memref<1x64x256xf32, #tpu.memory_space<hbm>>
    %dma_wait3A_410 = tpu.memref_squeeze %dma_wait3A_409 : memref<1x64x256xf32, #tpu.memory_space<hbm>> -> memref<64x256xf32, #tpu.memory_space<hbm>>
    %dma_wait3A_411 = arith.constant 960 : i32
    %dma_wait3A_412 = arith.constant 0 : i32
    %dma_wait3A_413 = tpu.memref_slice %arg4[%add3A, %dma_wait3A_411, %dma_wait3A_412] : memref<32x1024x256xf32, #tpu.memory_space<hbm>> -> memref<1x64x256xf32, #tpu.memory_space<hbm>>
    %dma_wait3A_414 = tpu.memref_squeeze %dma_wait3A_413 : memref<1x64x256xf32, #tpu.memory_space<hbm>> -> memref<64x256xf32, #tpu.memory_space<hbm>>
    tpu.wait_dma2 semaphore(%arg21 : memref<!tpu.dma_semaphore, #tpu.memory_space<semaphore_mem>>) src(%arg9 : memref<64x256xf32, #tpu.memory_space<vmem>>) dst(%dma_wait3A_414 : memref<64x256xf32, #tpu.memory_space<hbm>>)
    return
  }
}

</mosaic_0001>

<sc_bundles>
// kernel: kernel.3.cloned.1.call-start
scs
__scs_entry_jumppad:
0x0: {  	(pc) =	sbr.rel $0x88, $3  }
0x1: {  	(tag) =	ssettag $0x0;
	lr =	simm.s32 $0x1  }
0x2: {  	[smem:$0x3F9F] =	sst lr;
	_ =	strace $0xD0000000  }
0x3: {  	_ = 	snop  }
0x4: {  	_ = 	snop  }
0x5: {  	_ = 	snop  }
0x6: {  	_ = 	snop  }
0x7: {  	_ = 	snop  }
__scs_overlays_trampoline_lowered:
0x8: {  	[smem:$0x3FAE] =	sst s0  }
0x9: {  	[smem:$0x3FAF] =	sst s1  }
0xa: {  	[smem:$0x3FB0] =	sst s2  }
0xb: {  	[smem:$0x3FB1] =	sst s3  }
0xc: {  	[smem:$0x3FB2] =	sst s4  }
0xd: {  	[smem:$0x3FB3] =	sst s5  }
0xe: {  	[smem:$0x3FB4] =	sst s6  }
0xf: {  	[smem:$0x3FB5] =	sst s7  }
0x10: {  	[smem:$0x3FB6] =	sst s8  }
0x11: {  	[smem:$0x3FB7] =	sst s9;
	s0 =	simm.s32 @!p0 $0x0  }
0x12: {  	s1 =	sld [smem:$0x3F9D];
	s0 =	simm.s32 @p0 $0x1  }
0x13: {  	[smem:$0x3FB8] =	sst s0;
	s0 =	simm.s32 @!p1 $0x0  }
0x14: {  	s2 =	sld [smem:$0x3F9C];
	s0 =	simm.s32 @p1 $0x1  }
0x15: {  	[smem:$0x3FB9] =	sst s0;
	s0 =	simm.s32 @!p2 $0x0  }
0x16: {  	s3 =	sld [smem:$0x3FDB];
	s0 =	simm.s32 @p2 $0x1  }
0x17: {  	s4 =	simm.s32 $0x1BF5;
	[smem:$0x3FBB] =	sst s0  }
0x18: {  	s0 =	sld [smem:$0x3F9E];
	_ =	swait.ge [sflag:s4], $0x0  }
0x19: {  	s7 =	sld [smem:$0x3F9F]  }
0x1a: {  	s8 =	sadd.s32 $0xFFFFE003, lr  }
0x1b: {  	s9 =	sadd.s32 $0xFFFFFEF7, lr;
	s5 =	simm.s32 $0xFFFFFFFF;
	p2 =	slt.u32 s8, $0xFFFFF086  }
0x1c: {  	p1 =	slt.u32 s9, $0xF7A;
	s5 =	simm.s32 @!p2 $0x0  }
0x1d: {  	s5 =	simm.s32 @p1 $0x1;
	p0 =	seq.s32 s7, s2  }
0x1e: {  	s7 =	smul.u32 @!p0 $0xF7A, s2;
	p2 =	seq.s32 @!p0 s5, $0x0  }
0x1f: {  	s9 =	smul.u32 $0xF7A, s1;
	s8 =	simm.s32 @!p0 $0x1BF5;
	p2 =	por !p2, p0  }
0x20: {  	[sflag:s8] =	ssyncset.s32 @!p0 $0xFFFFF086;
	s6 =	sadd.s32 @!p0 s3, s7;
	s7 =	simm.s32 @!p0 $0x108  }
0x21: {  	s3 =	sadd.s32 s3, s9;
	s6 =	sadd.s32 @!p0 $0x88, s6;
	s7 =	simm.s32 @p2 $0x1082  }
0x22: {  	[simem:s7], [sflag:s8] =	dma.local @!p0 [hbm:s6], $0xF7A  }
0x23: {  	s9 =	sor.u32 $0xD0000000, s2;
	s6 =	simm.s32 $0x108;
	_ =	swait.ge @!p0 [sflag:s8], $0x0  }
0x24: {  	s3 =	sadd.s32 $0x88, s3;
	s6 =	simm.s32 @!p1 $0x1082;
	[sflag:s4] =	ssyncset.s32 $0xFFFFF086  }
0x25: {  	[simem:s6], [sflag:s4] =	dma.local [hbm:s3], $0xF7A  }
0x26: {  	[smem:$0x3F9F] =	sst s1;
	(tag) =	ssettag s2;
	_ =	strace s9  }
0x27: {  	s1 =	sld [smem:$0x3FAF]  }
0x28: {  	s2 =	sld [smem:$0x3FB0]  }
0x29: {  	s4 =	sld [smem:$0x3FB2]  }
0x2a: {  	p0 =	seq.s32 s5, $0x0;
	s5 =	sld [smem:$0x3FB3]  }
0x2b: {  	s6 =	sld [smem:$0x3FB4]  }
0x2c: {  	s7 =	sld [smem:$0x3FB5]  }
0x2d: {  	s3 =	simm.s32 $0x108;
	s8 =	sld [smem:$0x3FB6]  }
0x2e: {  	s3 =	simm.s32 @!p0 $0x1082;
	s9 =	sld [smem:$0x3FB7]  }
0x2f: {  	lr =	sadd.s32 s0, s3;
	s0 =	sld [smem:$0x3FAE]  }
0x30: {  	s3 =	sld [smem:$0x3FB1]  }
0x31: {  	[smem:$0x3FBA] =	sst s10  }
0x32: {  	s10 =	sld [smem:$0x3FB8];
	_ =	sdelay $0x3  }
0x33: {  	p0 =	seq.s32 s10, $0x1;
	s10 =	sld [smem:$0x3FBA];
	_ =	sdelay $0x3  }
0x34: {  	[smem:$0x3FBA] =	sst s10  }
0x35: {  	s10 =	sld [smem:$0x3FB9];
	_ =	sdelay $0x3  }
0x36: {  	p1 =	seq.s32 s10, $0x1;
	s10 =	sld [smem:$0x3FBA];
	_ =	sdelay $0x3  }
0x37: {  	[smem:$0x3FBA] =	sst s10  }
0x38: {  	s10 =	sld [smem:$0x3FBB]  }
0x39: {  	_ = 	snop;
	(pc) =	sbr.ind lr, $3  }
0x3a: {  	_ = 	snop  }
0x3b: {  	_ = 	snop  }
0x3c: {  	p2 =	seq.s32 s10, $0x1;
	s10 =	sld [smem:$0x3FBA]  }
0x3d: {  	_ =	shalt  }
0x3e: {  	_ =	shalt  }
0x3f: {  	_ =	shalt  }
0x40: {  	_ =	shalt  }
0x41: {  	_ =	shalt  }
0x42: {  	_ =	shalt  }
0x43: {  	_ =	shalt  }
0x44: {  	_ =	shalt  }
0x45: {  	_ =	shalt  }
0x46: {  	_ =	shalt  }
0x47: {  	_ =	shalt  }
0x48: {  	_ =	shalt  }
0x49: {  	_ =	shalt  }
0x4a: {  	_ =	shalt  }
0x4b: {  	_ =	shalt  }
0x4c: {  	_ =	shalt  }
0x4d: {  	_ =	shalt  }
0x4e: {  	_ =	shalt  }
0x4f: {  	_ =	shalt  }
0x50: {  	_ =	shalt  }
0x51: {  	_ =	shalt  }
0x52: {  	_ =	shalt  }
0x53: {  	_ =	shalt  }
0x54: {  	_ =	shalt  }
0x55: {  	_ =	shalt  }
0x56: {  	_ =	shalt  }
0x57: {  	_ =	shalt  }
0x58: {  	_ =	shalt  }
0x59: {  	_ =	shalt  }
0x5a: {  	_ =	shalt  }
0x5b: {  	_ =	shalt  }
0x5c: {  	_ =	shalt  }
0x5d: {  	_ =	shalt  }
0x5e: {  	_ =	shalt  }
0x5f: {  	_ =	shalt  }
0x60: {  	_ =	shalt  }
0x61: {  	_ =	shalt  }
0x62: {  	_ =	shalt  }
0x63: {  	_ =	shalt  }
0x64: {  	_ =	shalt  }
0x65: {  	_ =	shalt  }
0x66: {  	_ =	shalt  }
0x67: {  	_ =	shalt  }
0x68: {  	_ =	shalt  }
0x69: {  	_ =	shalt  }
0x6a: {  	_ =	shalt  }
0x6b: {  	_ =	shalt  }
0x6c: {  	_ =	shalt  }
0x6d: {  	_ =	shalt  }
0x6e: {  	_ =	shalt  }
0x6f: {  	_ =	shalt  }
0x70: {  	_ =	shalt  }
0x71: {  	_ =	shalt  }
0x72: {  	_ =	shalt  }
0x73: {  	_ =	shalt  }
0x74: {  	_ =	shalt  }
0x75: {  	_ =	shalt  }
0x76: {  	_ =	shalt  }
0x77: {  	_ =	shalt  }
0x78: {  	_ =	shalt  }
0x79: {  	_ =	shalt  }
0x7a: {  	_ =	shalt  }
0x7b: {  	_ =	shalt  }
0x7c: {  	_ =	shalt  }
0x7d: {  	_ =	shalt  }
0x7e: {  	_ =	shalt  }
0x7f: {  	_ =	shalt  }
0x80: {  	_ =	shalt  }
0x81: {  	_ =	shalt  }
0x82: {  	_ =	shalt  }
0x83: {  	_ =	shalt  }
0x84: {  	_ =	shalt  }
0x85: {  	_ =	shalt  }
0x86: {  	_ =	shalt  }
0x87: {  	_ =	shalt  }
.Lfunc_end0:
.L_simem_size_0:
called_computation_lowered:
.L_overlay_start_0:
0x88: {  	s2 =	sld [smem:$0x3FD9]  }
0x89: {  	s3 =	sld [smem:$0x3FFE];
	_ =	sdelay $0x1  }
0x8a: {  	s1 =	srdreg.scid  }
0x8b: {  	s0 =	sand.u32 $0x1, s1  }
0x8c: {  	s18 =	sshll.u32 s0, $0xA;
	s2 =	sadd.s32 s3, s2  }
0x8d: {  	s2 =	sadd.s32 s2, s18  }
0x8e: {  	[smem:$0x3FC6] =	sst s2  }
0x8f: {  	_ = 	snop  }
0x90: {  	s2 =	sld [smem:$0x3FC9]  }
0x91: {  	s19 =	sld [smem:$0x3FC8]  }
0x92: {  	s4 =	sld [smem:$0x3FD0];
	(tm) =	ssettm $0x1  }
0x93: {  	s5 =	sld [smem:$0x3FFB];
	_ =	sdelay $0x3  }
0x94: {  	_ =	strace s5  }
0x95: {  	s5 =	sld [smem:$0x3FFC];
	_ =	sdelay $0x3  }
0x96: {  	_ =	strace s5  }
0x97: {  	s5 =	sld [smem:$0x3FFD];
	_ =	sdelay $0x3  }
0x98: {  	_ =	strace s5  }
0x99: {  	_ =	strace $0x8FFFFFFF  }
0x9a: {  	s20 =	sld [smem:$0x3FDB];
	_ =	sdelay $0x1  }
0x9b: {  	s6 =	simm.s32 $_scs_section_size  }
0x9c: {  	s7 =	simm.s32 $_size__tile_overlayer_lowered;
	s8 =	simm.s32 $_tile_overlayer_lowered  }
0x9d: {  	s23 =	simm.s32 $0x1BFF;
	s22 =	sshll.u32 s8, $0x1;
	s5 =	sadd.s32 s6, s20  }
0x9e: {  	s9 =	simm.s32 $0x0;
	s21 =	sshll.u32 s7, $0x1;
	s7 =	sadd.s32 s22, s5  }
0x9f: {  	[timem:s9], [sflag:s23] =	dma.local [hbm:s7], s21  }
0xa0: {  	_ =	swait.ge [sflag:s23], s21  }
0xa1: {  	s6 =	ssub.s32 $0x0, s21;
	[sflag:s23] =	ssyncset.done $0x0  }
0xa2: {  	[sflag:s23] =	ssyncadd.s32 s6;
	_ =	sdelay $0x1  }
0xa3: {  	s24 =	simm.s32 $0x1B8B  }
0xa4: {  	_ =	swait.ge [sflag:s24], $0x1  }
0xa5: {  	[sflag:s24] =	ssyncset.done $0x0  }
0xa6: {  	s25 =	simm.s32 $0x1B8E;
	[sflag:s24] =	ssyncadd.s32 $0xFFFFFFFF  }
0xa7: {  	s26 =	simm.s32 $execute0_lowered;
	[smem:$0x3FD2] =	sst s25  }
0xa8: {  	s6 =	sshll.u32 s26, $0x1;
	_ =	strace $0x80000046;
	[dreg:$0x1] =	wrdreg $0xFFFFFFFF  }
0xa9: {  	s28 =	simm.s32 $_size_execute0_lowered;
	s5 =	sadd.s32 s5, s6;
	[dreg:$0x0] =	wrdreg $0x0  }
0xaa: {  	s6 =	sshll.u32 s28, $0x1;
	[dreg:$0x2] =	wrdreg s5  }
0xab: {  	[dreg:$0x3] =	wrdreg s6  }
0xac: {  	[dreg:$0x4] =	wrdreg $0xC0  }
0xad: {  	_ =	task [dreg:s9], $0x5FFFF  }
0xae: {  	[dreg:$0x1] =	wrdreg $0xFFFFFFFF  }
0xaf: {  	[dreg:$0x0] =	wrdreg $0x60  }
0xb0: {  	[dreg:$0x2] =	wrdreg s2  }
0xb1: {  	[dreg:$0x3] =	wrdreg s19  }
0xb2: {  	[dreg:$0x4] =	wrdreg s4  }
0xb3: {  	[dreg:$0x5] =	wrdreg $0x9  }
0xb4: {  	_ =	task.clear_ibuf [dreg:s9], $0x6FFFF;
	_ =	strace $0x90000046  }
0xb5: {  	s29 =	simm.s32 $0x9;
	_ =	strace $0x80000048  }
0xb6: {  	_ =	swait.ge [sflag:s29], $0x1  }
0xb7: {  	[sflag:s29] =	ssyncadd.s32 $0xFFFFFFFF  }
0xb8: {  	_ =	strace $0x90000048  }
0xb9: {  	_ =	sfence  }
0xba: {  	s30 =	sld [smem:$0x0];
	_ =	sdelay $0x2  }
0xbb: {  	s31 =	sshll.u32 s1, $0xD;
	s1 =	sshrl.u32 s1, $0x2  }
0xbc: {  	s3 =	sand.u32 $0x4000, s31;
	s1 =	sadd.s32 s1, s30  }
0xbd: {  	s0 =	sor.u32 s3, s0;
	s1 =	sshll.u32 s1, $0x11  }
0xbe: {  	s0 =	sor.u32 s1, s0  }
0xbf: {  	s0 =	sadd.s32 $0x8F2B, s0  }
0xc0: {  	[sflag:s0] =	ssyncadd.remote.s32 $0x1  }
0xc1: {  	_ =	sfence.sel $0xFFFF  }
0xc2: {  	[dreg:$0x0] =	wrdreg $0xFFFFFFFF;
	(pc) =	sbr.abs _section_cstart, $3  }
0xc3: {  	[dreg:$0x1] =	wrdreg $0xFFFFFFFF  }
0xc4: {  	_ =	task.clear_ibuf [dreg:s9], $0x2FFFF;
	_ =	strace $0x9FFFFFFF  }
0xc5: {  	(tm) =	ssettm $0x7FFFFFFF  }
tec
execute0_lowered:
.L_overlay_start_1:
0x0: {  	(tag) =	ssettag $0x1  }
0x1: {  	s0 =	rddreg [dreg:$0x0]  }
0x2: {  	s2 =	rddreg [dreg:$0x1]  }
0x3: {  	s1 =	rddreg [dreg:$0x2]  }
0x4: {  	s3 =	srdreg.scid;
	s6 =	stileid.u32  }
0x5: {  	s31 =	simm.s32 $0x80;
	s4 =	sand.u32 $0x1, s3;
	s5 =	sshll.u32 s6, $0x1  }
0x6: {  	s3 =	simm.s32 $0x0;
	s6 =	sshll.u32 s6, $0x8;
	s5 =	sor.u32 s4, s5  }
0x7: {  	[smem:$0x7FF] =	sst s3;
	s6 =	sand.u32 $0xC00, s6;
	s7 =	sshll.u32 s5, $0x4  }
0x8: {  	s0 =	sadd.s32 s0, s6;
	s5 =	sshll.u32 s5, $0xF;
	_ =	strace $0x80000047  }
0x9: {  	[dreg:$0x14] =	wrdreg s31;
	s7 =	sand.u32 $0x70, s7;
	s5 =	sadd.s32 s1, s5  }
0xa: {  	s0 =	sadd.s32 s7, s0;
	[dreg:$0x15] =	wrdreg s5  }
0xb: {  	s12 =	sadd.s32 $0x800, s5;
	[dreg:$0x4] =	wrdreg s0  }
0xc: {  	s13 =	sadd.s32 $0x1000, s5;
	[dreg:$0x5] =	wrdreg s12  }
0xd: {  	s14 =	sadd.s32 $0x1800, s5;
	[dreg:$0x6] =	wrdreg s13  }
0xe: {  	s15 =	sadd.s32 $0x2000, s5;
	[dreg:$0x7] =	wrdreg s14  }
0xf: {  	s16 =	sadd.s32 $0x2800, s5;
	[dreg:$0x8] =	wrdreg s15  }
0x10: {  	s9 =	simm.s32 $0x13C00;
	s17 =	sadd.s32 $0x3000, s5;
	[dreg:$0x9] =	wrdreg s16  }
0x11: {  	s10 =	simm.s32 $0x14400;
	s18 =	sadd.s32 $0x3800, s5;
	[dreg:$0xa] =	wrdreg s17  }
0x12: {  	s28 =	simm.s32 $0x16400;
	s19 =	sadd.s32 $0x4000, s5;
	[dreg:$0xb] =	wrdreg s18  }
0x13: {  	s29 =	simm.s32 $0x16C00;
	s20 =	sadd.s32 $0x4800, s5;
	[dreg:$0xc] =	wrdreg s19  }
0x14: {  	s25 =	ssub.s32 $0x2, s4;
	s21 =	sadd.s32 $0x5000, s5;
	[dreg:$0xd] =	wrdreg s20  }
0x15: {  	s4 =	sshrl.u32 s25, $0x1;
	s22 =	sadd.s32 $0x5800, s5;
	[dreg:$0xe] =	wrdreg s21  }
0x16: {  	s1 =	ssub.s32 s25, s4;
	s23 =	sadd.s32 $0x6000, s5;
	[dreg:$0xf] =	wrdreg s22  }
0x17: {  	s25 =	simm.s32 $0x9;
	s24 =	sadd.s32 $0x6800, s5;
	[dreg:$0x10] =	wrdreg s23  }
0x18: {  	s4 =	simm.s32 $0x8400;
	s26 =	sadd.s32 $0x7000, s5;
	[dreg:$0x11] =	wrdreg s24  }
0x19: {  	s30 =	sadd.s32 $0x7800, s5;
	s5 =	smax.u32 s1, $0x1;
	[dreg:$0x12] =	wrdreg s26  }
0x1a: {  	s1 =	simm.s32 $0x2;
	[dreg:$0x13] =	wrdreg s30;
	s21 =	simm.s32 $0x1  }
0x1b: {  	s14 =	simm.s32 $0x3;
	s17 =	simm.s32 $0x4;
	s20 =	simm.s32 $0x7  }
0x1c: {  	v2 =	vlaneseq.u32;
	s22 =	simm.s32 $0x8;
	s26 =	simm.s32 $0xA;
	s23 =	simm.s32 $0x400  }
0x1d: {  	vm0 =	vmmov $0xffff;
	v1 =	vshrl.u32 v2, $0x3;
	s24 =	simm.s32 $0x4400;
	s19 =	simm.s32 $0xC400;
	s15 =	simm.s32 $0x10C00  }
0x1e: {  	v0 =	vand.u32 $0x7, v2;
	v2 =	vor.u32 $0x8, v2;
	v1 =	vmul.u32 $0x8, v1;
	s13 =	simm.s32 $0x11400;
	s16 =	simm.s32 $0x11C00;
	s18 =	simm.s32 $0x12400  }
.LBB2_1:
0x1f: {  	s30 =	rddreg [dreg:$0x4]  }
0x20: {  	s31 =	rddreg [dreg:$0x14];
	s11 =	simm.s32 $0xD  }
0x21: {  	[tilespmem:s3], [sflag:$0xD] =	stream.strided.gather [hbm4b:s30+s31], $0x400, s23, s31, $0x38;
	[tilespmem:$0x18400] =	vst v63  }
0x22: {  	_ =	swait.ge [sflag:s11], $0x400  }
0x23: {  	[sflag:s11] =	ssyncset.done $0x0  }
0x24: {  	[sflag:s11] =	ssyncadd.s32 $0xFFFFFC00  }
0x25: {  	v3 =	vld [tilespmem:$0x0];
	_ =	sdelay $0x4  }
0x26: {  	v4 =	vshll.u32 v3, $0x1  }
0x27: {  	v3 =	vand.u32 $0x7, v3;
	v4 =	vand.u32 $0xFFFFFFF0, v4  }
0x28: {  	v3 =	vor.u32 v3, v4  }
0x29: {  	v4 =	vperm.xlane v3, v0;
	_ =	sdelay $0x1  }
0x2a: {  	v3 =	vperm.xlane v3, v2;
	v4 =	vadd.s32 v1, v4;
	_ =	sdelay $0x1  }
0x2b: {  	v3 =	vadd.s32 v1, v3;
	_ =	sdelay $0x2  }
0x2c: {  	[tilespmem:s23], [sflag:$0x1] =	stream.indirect_vreg.gather [hbm4b:s2+s3], $0x80, v4, vm0, $0xb8;
	[tilespmem:$0x18400] =	vst v63  }
0x2d: {  	s0 =	simm.s32 $0xC00  }
0x2e: {  	[tilespmem:s0], [sflag:$0x1] =	stream.indirect_vreg.gather [hbm4b:s2+s3], $0x80, v3, vm0, $0xb8;
	[tilespmem:$0x18400] =	vst v63  }
0x2f: {  	v3 =	vld [tilespmem:$0x10];
	_ =	sdelay $0x4  }
0x30: {  	v57 =	vshll.u32 v3, $0x1  }
0x31: {  	v3 =	vand.u32 $0x7, v3;
	v4 =	vand.u32 $0xFFFFFFF0, v57  }
0x32: {  	v3 =	vor.u32 v3, v4  }
0x33: {  	v4 =	vperm.xlane v3, v0;
	_ =	sdelay $0x1  }
0x34: {  	v3 =	vperm.xlane v3, v2;
	v4 =	vadd.s32 v1, v4;
	_ =	sdelay $0x1  }
0x35: {  	v3 =	vadd.s32 v1, v3;
	_ =	sdelay $0x1  }
0x36: {  	s12 =	simm.s32 $0x1400  }
0x37: {  	[tilespmem:s12], [sflag:$0x1] =	stream.indirect_vreg.gather [hbm4b:s2+s3], $0x80, v4, vm0, $0xb8;
	[tilespmem:$0x18400] =	vst v63  }
0x38: {  	s30 =	simm.s32 $0x1C00  }
0x39: {  	[tilespmem:s30], [sflag:$0x1] =	stream.indirect_vreg.gather [hbm4b:s2+s3], $0x80, v3, vm0, $0xb8;
	[tilespmem:$0x18400] =	vst v63  }
0x3a: {  	v3 =	vld [tilespmem:$0x20];
	_ =	sdelay $0x4  }
0x3b: {  	v58 =	vshll.u32 v3, $0x1  }
0x3c: {  	v3 =	vand.u32 $0x7, v3;
	v4 =	vand.u32 $0xFFFFFFF0, v58  }
0x3d: {  	v3 =	vor.u32 v3, v4  }
0x3e: {  	v4 =	vperm.xlane v3, v0;
	_ =	sdelay $0x1  }
0x3f: {  	v3 =	vperm.xlane v3, v2;
	v4 =	vadd.s32 v1, v4;
	_ =	sdelay $0x1  }
0x40: {  	v3 =	vadd.s32 v1, v3;
	_ =	sdelay $0x1  }
0x41: {  	s31 =	simm.s32 $0x2400  }
0x42: {  	[tilespmem:s31], [sflag:$0x1] =	stream.indirect_vreg.gather [hbm4b:s2+s3], $0x80, v4, vm0, $0xb8;
	[tilespmem:$0x18400] =	vst v63  }
0x43: {  	s6 =	simm.s32 $0x2C00  }
0x44: {  	[tilespmem:s6], [sflag:$0x1] =	stream.indirect_vreg.gather [hbm4b:s2+s3], $0x80, v3, vm0, $0xb8;
	[tilespmem:$0x18400] =	vst v63  }
0x45: {  	v3 =	vld [tilespmem:$0x30];
	_ =	sdelay $0x4  }
0x46: {  	v59 =	vshll.u32 v3, $0x1  }
0x47: {  	v3 =	vand.u32 $0x7, v3;
	v4 =	vand.u32 $0xFFFFFFF0, v59  }
0x48: {  	v3 =	vor.u32 v3, v4  }
0x49: {  	v4 =	vperm.xlane v3, v0;
	_ =	sdelay $0x1  }
0x4a: {  	v3 =	vperm.xlane v3, v2;
	v4 =	vadd.s32 v1, v4;
	_ =	sdelay $0x1  }
0x4b: {  	v3 =	vadd.s32 v1, v3;
	_ =	sdelay $0x1  }
0x4c: {  	s7 =	simm.s32 $0x3400  }
0x4d: {  	[tilespmem:s7], [sflag:$0x1] =	stream.indirect_vreg.gather [hbm4b:s2+s3], $0x80, v4, vm0, $0xb8;
	[tilespmem:$0x18400] =	vst v63  }
0x4e: {  	s8 =	simm.s32 $0x3C00  }
0x4f: {  	[tilespmem:s8], [sflag:$0x1] =	stream.indirect_vreg.gather [hbm4b:s2+s3], $0x80, v3, vm0, $0xb8;
	[tilespmem:$0x18400] =	vst v63  }
0x50: {  	v3 =	vld [tilespmem:$0x40];
	_ =	sdelay $0x4  }
0x51: {  	v60 =	vshll.u32 v3, $0x1  }
0x52: {  	v3 =	vand.u32 $0x7, v3;
	v4 =	vand.u32 $0xFFFFFFF0, v60  }
0x53: {  	v3 =	vor.u32 v3, v4  }
0x54: {  	v4 =	vperm.xlane v3, v0;
	_ =	sdelay $0x1  }
0x55: {  	v3 =	vperm.xlane v3, v2;
	v4 =	vadd.s32 v1, v4;
	_ =	sdelay $0x1  }
0x56: {  	v3 =	vadd.s32 v1, v3;
	_ =	sdelay $0x2  }
0x57: {  	[tilespmem:s24], [sflag:$0x2] =	stream.indirect_vreg.gather [hbm4b:s2+s3], $0x80, v4, vm0, $0xb8;
	[tilespmem:$0x18400] =	vst v63  }
0x58: {  	s30 =	simm.s32 $0x4C00  }
0x59: {  	[tilespmem:s30], [sflag:$0x2] =	stream.indirect_vreg.gather [hbm4b:s2+s3], $0x80, v3, vm0, $0xb8;
	[tilespmem:$0x18400] =	vst v63  }
0x5a: {  	v3 =	vld [tilespmem:$0x50];
	_ =	sdelay $0x4  }
0x5b: {  	v61 =	vshll.u32 v3, $0x1  }
0x5c: {  	v3 =	vand.u32 $0x7, v3;
	v4 =	vand.u32 $0xFFFFFFF0, v61  }
0x5d: {  	v3 =	vor.u32 v3, v4  }
0x5e: {  	v4 =	vperm.xlane v3, v0;
	_ =	sdelay $0x1  }
0x5f: {  	v3 =	vperm.xlane v3, v2;
	v4 =	vadd.s32 v1, v4;
	_ =	sdelay $0x1  }
0x60: {  	v3 =	vadd.s32 v1, v3;
	_ =	sdelay $0x1  }
0x61: {  	s31 =	simm.s32 $0x5400  }
0x62: {  	[tilespmem:s31], [sflag:$0x2] =	stream.indirect_vreg.gather [hbm4b:s2+s3], $0x80, v4, vm0, $0xb8;
	[tilespmem:$0x18400] =	vst v63  }
0x63: {  	s6 =	simm.s32 $0x5C00  }
0x64: {  	[tilespmem:s6], [sflag:$0x2] =	stream.indirect_vreg.gather [hbm4b:s2+s3], $0x80, v3, vm0, $0xb8;
	[tilespmem:$0x18400] =	vst v63  }
0x65: {  	v3 =	vld [tilespmem:$0x60];
	_ =	sdelay $0x4  }
0x66: {  	v62 =	vshll.u32 v3, $0x1  }
0x67: {  	v3 =	vand.u32 $0x7, v3;
	v4 =	vand.u32 $0xFFFFFFF0, v62  }
0x68: {  	v3 =	vor.u32 v3, v4  }
0x69: {  	v4 =	vperm.xlane v3, v0;
	_ =	sdelay $0x1  }
0x6a: {  	v3 =	vperm.xlane v3, v2;
	v4 =	vadd.s32 v1, v4;
	_ =	sdelay $0x1  }
0x6b: {  	v3 =	vadd.s32 v1, v3;
	_ =	sdelay $0x1  }
0x6c: {  	s7 =	simm.s32 $0x6400  }
0x6d: {  	[tilespmem:s7], [sflag:$0x2] =	stream.indirect_vreg.gather [hbm4b:s2+s3], $0x80, v4, vm0, $0xb8;
	[tilespmem:$0x18400] =	vst v63  }
0x6e: {  	s8 =	simm.s32 $0x6C00  }
0x6f: {  	[tilespmem:s8], [sflag:$0x2] =	stream.indirect_vreg.gather [hbm4b:s2+s3], $0x80, v3, vm0, $0xb8;
	[tilespmem:$0x18400] =	vst v63  }
0x70: {  	v3 =	vld [tilespmem:$0x70];
	_ =	sdelay $0x4  }
0x71: {  	v63 =	vshll.u32 v3, $0x1  }
0x72: {  	v3 =	vand.u32 $0x7, v3;
	v4 =	vand.u32 $0xFFFFFFF0, v63  }
0x73: {  	v3 =	vor.u32 v3, v4  }
0x74: {  	v4 =	vperm.xlane v3, v0;
	_ =	sdelay $0x1  }
0x75: {  	v3 =	vperm.xlane v3, v2;
	v4 =	vadd.s32 v1, v4;
	_ =	sdelay $0x1  }
0x76: {  	v3 =	vadd.s32 v1, v3;
	_ =	sdelay $0x1  }
0x77: {  	s30 =	simm.s32 $0x7400  }
0x78: {  	[tilespmem:s30], [sflag:$0x2] =	stream.indirect_vreg.gather [hbm4b:s2+s3], $0x80, v4, vm0, $0xb8;
	[tilespmem:$0x18400] =	vst v63  }
0x79: {  	s31 =	simm.s32 $0x7C00  }
0x7a: {  	[tilespmem:s31], [sflag:$0x2] =	stream.indirect_vreg.gather [hbm4b:s2+s3], $0x80, v3, vm0, $0xb8;
	[tilespmem:$0x18400] =	vst v63  }
0x7b: {  	_ =	swait.ge [sflag:s21], $0x4000  }
0x7c: {  	[sflag:s21] =	ssyncset.done $0x0  }
0x7d: {  	s0 =	rddreg [dreg:$0x15];
	[sflag:s21] =	ssyncadd.s32 $0xFFFFC000  }
0x7e: {  	[hbm4b:s0+s3] =	stream.linear.scatter [tilespmem:s23], [sflag:$0x7], $0x4000, $0x38;
	[tilespmem:$0x18400] =	vst v63  }
0x7f: {  	v3 =	vld [tilespmem:$0x80];
	_ =	sdelay $0x4  }
0x80: {  	v8 =	vshll.u32 v3, $0x1  }
0x81: {  	v3 =	vand.u32 $0x7, v3;
	v4 =	vand.u32 $0xFFFFFFF0, v8  }
0x82: {  	v3 =	vor.u32 v3, v4  }
0x83: {  	v4 =	vperm.xlane v3, v0;
	_ =	sdelay $0x1  }
0x84: {  	v3 =	vperm.xlane v3, v2;
	v4 =	vadd.s32 v1, v4;
	_ =	sdelay $0x1  }
0x85: {  	v3 =	vadd.s32 v1, v3;
	_ =	sdelay $0x2  }
0x86: {  	[tilespmem:s4], [sflag:$0x3] =	stream.indirect_vreg.gather [hbm4b:s2+s3], $0x80, v4, vm0, $0xb8;
	[tilespmem:$0x18400] =	vst v63  }
0x87: {  	s6 =	simm.s32 $0x8C00  }
0x88: {  	[tilespmem:s6], [sflag:$0x3] =	stream.indirect_vreg.gather [hbm4b:s2+s3], $0x80, v3, vm0, $0xb8;
	[tilespmem:$0x18400] =	vst v63  }
0x89: {  	v3 =	vld [tilespmem:$0x90];
	_ =	sdelay $0x4  }
0x8a: {  	v9 =	vshll.u32 v3, $0x1  }
0x8b: {  	v3 =	vand.u32 $0x7, v3;
	v4 =	vand.u32 $0xFFFFFFF0, v9  }
0x8c: {  	v3 =	vor.u32 v3, v4  }
0x8d: {  	v4 =	vperm.xlane v3, v0;
	_ =	sdelay $0x1  }
0x8e: {  	v3 =	vperm.xlane v3, v2;
	v4 =	vadd.s32 v1, v4;
	_ =	sdelay $0x1  }
0x8f: {  	v3 =	vadd.s32 v1, v3;
	_ =	sdelay $0x1  }
0x90: {  	s7 =	simm.s32 $0x9400  }
0x91: {  	[tilespmem:s7], [sflag:$0x3] =	stream.indirect_vreg.gather [hbm4b:s2+s3], $0x80, v4, vm0, $0xb8;
	[tilespmem:$0x18400] =	vst v63  }
0x92: {  	s8 =	simm.s32 $0x9C00  }
0x93: {  	[tilespmem:s8], [sflag:$0x3] =	stream.indirect_vreg.gather [hbm4b:s2+s3], $0x80, v3, vm0, $0xb8;
	[tilespmem:$0x18400] =	vst v63  }
0x94: {  	v3 =	vld [tilespmem:$0xA0];
	_ =	sdelay $0x4  }
0x95: {  	v10 =	vshll.u32 v3, $0x1  }
0x96: {  	v3 =	vand.u32 $0x7, v3;
	v4 =	vand.u32 $0xFFFFFFF0, v10  }
0x97: {  	v3 =	vor.u32 v3, v4  }
0x98: {  	v4 =	vperm.xlane v3, v0;
	_ =	sdelay $0x1  }
0x99: {  	v3 =	vperm.xlane v3, v2;
	v4 =	vadd.s32 v1, v4;
	_ =	sdelay $0x1  }
0x9a: {  	v3 =	vadd.s32 v1, v3;
	_ =	sdelay $0x1  }
0x9b: {  	s30 =	simm.s32 $0xA400  }
0x9c: {  	[tilespmem:s30], [sflag:$0x3] =	stream.indirect_vreg.gather [hbm4b:s2+s3], $0x80, v4, vm0, $0xb8;
	[tilespmem:$0x18400] =	vst v63  }
0x9d: {  	s31 =	simm.s32 $0xAC00  }
0x9e: {  	[tilespmem:s31], [sflag:$0x3] =	stream.indirect_vreg.gather [hbm4b:s2+s3], $0x80, v3, vm0, $0xb8;
	[tilespmem:$0x18400] =	vst v63  }
0x9f: {  	v3 =	vld [tilespmem:$0xB0];
	_ =	sdelay $0x4  }
0xa0: {  	v11 =	vshll.u32 v3, $0x1  }
0xa1: {  	v3 =	vand.u32 $0x7, v3;
	v4 =	vand.u32 $0xFFFFFFF0, v11  }
0xa2: {  	v3 =	vor.u32 v3, v4  }
0xa3: {  	v4 =	vperm.xlane v3, v0;
	_ =	sdelay $0x1  }
0xa4: {  	v3 =	vperm.xlane v3, v2;
	v4 =	vadd.s32 v1, v4;
	_ =	sdelay $0x1  }
0xa5: {  	v3 =	vadd.s32 v1, v3;
	_ =	sdelay $0x1  }
0xa6: {  	s6 =	simm.s32 $0xB400  }
0xa7: {  	[tilespmem:s6], [sflag:$0x3] =	stream.indirect_vreg.gather [hbm4b:s2+s3], $0x80, v4, vm0, $0xb8;
	[tilespmem:$0x18400] =	vst v63  }
0xa8: {  	s7 =	simm.s32 $0xBC00  }
0xa9: {  	[tilespmem:s7], [sflag:$0x3] =	stream.indirect_vreg.gather [hbm4b:s2+s3], $0x80, v3, vm0, $0xb8;
	[tilespmem:$0x18400] =	vst v63  }
0xaa: {  	_ =	swait.ge [sflag:s1], $0x4000  }
0xab: {  	[sflag:s1] =	ssyncset.done $0x0  }
0xac: {  	s8 =	rddreg [dreg:$0x5];
	[sflag:s1] =	ssyncadd.s32 $0xFFFFC000  }
0xad: {  	[hbm4b:s8+s3] =	stream.linear.scatter [tilespmem:s24], [sflag:$0x8], $0x4000, $0x38;
	[tilespmem:$0x18400] =	vst v63  }
0xae: {  	v3 =	vld [tilespmem:$0xC0];
	_ =	sdelay $0x4  }
0xaf: {  	v12 =	vshll.u32 v3, $0x1  }
0xb0: {  	v3 =	vand.u32 $0x7, v3;
	v4 =	vand.u32 $0xFFFFFFF0, v12  }
0xb1: {  	v3 =	vor.u32 v3, v4  }
0xb2: {  	v4 =	vperm.xlane v3, v0;
	_ =	sdelay $0x1  }
0xb3: {  	v3 =	vperm.xlane v3, v2;
	v4 =	vadd.s32 v1, v4;
	_ =	sdelay $0x1  }
0xb4: {  	v3 =	vadd.s32 v1, v3;
	_ =	sdelay $0x2  }
0xb5: {  	[tilespmem:s19], [sflag:$0x4] =	stream.indirect_vreg.gather [hbm4b:s2+s3], $0x80, v4, vm0, $0xb8;
	[tilespmem:$0x18400] =	vst v63  }
0xb6: {  	s30 =	simm.s32 $0xCC00  }
0xb7: {  	[tilespmem:s30], [sflag:$0x4] =	stream.indirect_vreg.gather [hbm4b:s2+s3], $0x80, v3, vm0, $0xb8;
	[tilespmem:$0x18400] =	vst v63  }
0xb8: {  	v3 =	vld [tilespmem:$0xD0];
	_ =	sdelay $0x4  }
0xb9: {  	v13 =	vshll.u32 v3, $0x1  }
0xba: {  	v3 =	vand.u32 $0x7, v3;
	v4 =	vand.u32 $0xFFFFFFF0, v13  }
0xbb: {  	v3 =	vor.u32 v3, v4  }
0xbc: {  	v4 =	vperm.xlane v3, v0;
	_ =	sdelay $0x1  }
0xbd: {  	v3 =	vperm.xlane v3, v2;
	v4 =	vadd.s32 v1, v4;
	_ =	sdelay $0x1  }
0xbe: {  	v3 =	vadd.s32 v1, v3;
	_ =	sdelay $0x1  }
0xbf: {  	s31 =	simm.s32 $0xD400  }
0xc0: {  	[tilespmem:s31], [sflag:$0x4] =	stream.indirect_vreg.gather [hbm4b:s2+s3], $0x80, v4, vm0, $0xb8;
	[tilespmem:$0x18400] =	vst v63  }
0xc1: {  	s6 =	simm.s32 $0xDC00  }
0xc2: {  	[tilespmem:s6], [sflag:$0x4] =	stream.indirect_vreg.gather [hbm4b:s2+s3], $0x80, v3, vm0, $0xb8;
	[tilespmem:$0x18400] =	vst v63  }
0xc3: {  	v3 =	vld [tilespmem:$0xE0];
	_ =	sdelay $0x4  }
0xc4: {  	v14 =	vshll.u32 v3, $0x1  }
0xc5: {  	v3 =	vand.u32 $0x7, v3;
	v4 =	vand.u32 $0xFFFFFFF0, v14  }
0xc6: {  	v3 =	vor.u32 v3, v4  }
0xc7: {  	v4 =	vperm.xlane v3, v0;
	_ =	sdelay $0x1  }
0xc8: {  	v3 =	vperm.xlane v3, v2;
	v4 =	vadd.s32 v1, v4;
	_ =	sdelay $0x1  }
0xc9: {  	v3 =	vadd.s32 v1, v3;
	_ =	sdelay $0x1  }
0xca: {  	s7 =	simm.s32 $0xE400  }
0xcb: {  	[tilespmem:s7], [sflag:$0x4] =	stream.indirect_vreg.gather [hbm4b:s2+s3], $0x80, v4, vm0, $0xb8;
	[tilespmem:$0x18400] =	vst v63  }
0xcc: {  	s8 =	simm.s32 $0xEC00  }
0xcd: {  	[tilespmem:s8], [sflag:$0x4] =	stream.indirect_vreg.gather [hbm4b:s2+s3], $0x80, v3, vm0, $0xb8;
	[tilespmem:$0x18400] =	vst v63  }
0xce: {  	v3 =	vld [tilespmem:$0xF0];
	_ =	sdelay $0x4  }
0xcf: {  	v15 =	vshll.u32 v3, $0x1  }
0xd0: {  	v3 =	vand.u32 $0x7, v3;
	v4 =	vand.u32 $0xFFFFFFF0, v15  }
0xd1: {  	v3 =	vor.u32 v3, v4  }
0xd2: {  	v4 =	vperm.xlane v3, v0;
	_ =	sdelay $0x1  }
0xd3: {  	v3 =	vperm.xlane v3, v2;
	v4 =	vadd.s32 v1, v4;
	_ =	sdelay $0x1  }
0xd4: {  	v3 =	vadd.s32 v1, v3;
	_ =	sdelay $0x1  }
0xd5: {  	s30 =	simm.s32 $0xF400  }
0xd6: {  	[tilespmem:s30], [sflag:$0x4] =	stream.indirect_vreg.gather [hbm4b:s2+s3], $0x80, v4, vm0, $0xb8;
	[tilespmem:$0x18400] =	vst v63  }
0xd7: {  	s31 =	simm.s32 $0xFC00  }
0xd8: {  	[tilespmem:s31], [sflag:$0x4] =	stream.indirect_vreg.gather [hbm4b:s2+s3], $0x80, v3, vm0, $0xb8;
	[tilespmem:$0x18400] =	vst v63  }
0xd9: {  	_ =	swait.ge [sflag:s14], $0x4000  }
0xda: {  	[sflag:s14] =	ssyncset.done $0x0  }
0xdb: {  	s0 =	rddreg [dreg:$0x6];
	[sflag:s14] =	ssyncadd.s32 $0xFFFFC000  }
0xdc: {  	[hbm4b:s0+s3] =	stream.linear.scatter [tilespmem:s4], [sflag:$0x9], $0x4000, $0x38;
	[tilespmem:$0x18400] =	vst v63  }
0xdd: {  	v3 =	vld [tilespmem:$0x100];
	_ =	sdelay $0x4  }
0xde: {  	v16 =	vshll.u32 v3, $0x1  }
0xdf: {  	v3 =	vand.u32 $0x7, v3;
	v4 =	vand.u32 $0xFFFFFFF0, v16  }
0xe0: {  	v3 =	vor.u32 v3, v4  }
0xe1: {  	v4 =	vperm.xlane v3, v0;
	_ =	sdelay $0x1  }
0xe2: {  	v3 =	vperm.xlane v3, v2;
	v4 =	vadd.s32 v1, v4;
	_ =	sdelay $0x1  }
0xe3: {  	v3 =	vadd.s32 v1, v3;
	_ =	sdelay $0x1  }
0xe4: {  	s0 =	simm.s32 $0x10400  }
0xe5: {  	[tilespmem:s0], [sflag:$0x5] =	stream.indirect_vreg.gather [hbm4b:s2+s3], $0x80, v4, vm0, $0xb8;
	[tilespmem:$0x18400] =	vst v63  }
0xe6: {  	_ = 	snop  }
0xe7: {  	[tilespmem:s15], [sflag:$0x5] =	stream.indirect_vreg.gather [hbm4b:s2+s3], $0x80, v3, vm0, $0xb8;
	[tilespmem:$0x18400] =	vst v63  }
0xe8: {  	v3 =	vld [tilespmem:$0x110];
	_ =	sdelay $0x4  }
0xe9: {  	v17 =	vshll.u32 v3, $0x1  }
0xea: {  	v3 =	vand.u32 $0x7, v3;
	v4 =	vand.u32 $0xFFFFFFF0, v17  }
0xeb: {  	v3 =	vor.u32 v3, v4  }
0xec: {  	v4 =	vperm.xlane v3, v0;
	_ =	sdelay $0x1  }
0xed: {  	v3 =	vperm.xlane v3, v2;
	v4 =	vadd.s32 v1, v4;
	_ =	sdelay $0x1  }
0xee: {  	v3 =	vadd.s32 v1, v3;
	_ =	sdelay $0x2  }
0xef: {  	[tilespmem:s13], [sflag:$0x5] =	stream.indirect_vreg.gather [hbm4b:s2+s3], $0x80, v4, vm0, $0xb8;
	[tilespmem:$0x18400] =	vst v63  }
0xf0: {  	_ = 	snop  }
0xf1: {  	[tilespmem:s16], [sflag:$0x5] =	stream.indirect_vreg.gather [hbm4b:s2+s3], $0x80, v3, vm0, $0xb8;
	[tilespmem:$0x18400] =	vst v63  }
0xf2: {  	v3 =	vld [tilespmem:$0x120];
	_ =	sdelay $0x4  }
0xf3: {  	v18 =	vshll.u32 v3, $0x1  }
0xf4: {  	v3 =	vand.u32 $0x7, v3;
	v4 =	vand.u32 $0xFFFFFFF0, v18  }
0xf5: {  	v3 =	vor.u32 v3, v4  }
0xf6: {  	v4 =	vperm.xlane v3, v0;
	_ =	sdelay $0x1  }
0xf7: {  	v3 =	vperm.xlane v3, v2;
	v4 =	vadd.s32 v1, v4;
	_ =	sdelay $0x1  }
0xf8: {  	v3 =	vadd.s32 v1, v3;
	_ =	sdelay $0x2  }
0xf9: {  	[tilespmem:s18], [sflag:$0x5] =	stream.indirect_vreg.gather [hbm4b:s2+s3], $0x80, v4, vm0, $0xb8;
	[tilespmem:$0x18400] =	vst v63  }
0xfa: {  	s7 =	simm.s32 $0x12C00  }
0xfb: {  	[tilespmem:s7], [sflag:$0x5] =	stream.indirect_vreg.gather [hbm4b:s2+s3], $0x80, v3, vm0, $0xb8;
	[tilespmem:$0x18400] =	vst v63  }
0xfc: {  	v3 =	vld [tilespmem:$0x130];
	_ =	sdelay $0x4  }
0xfd: {  	v19 =	vshll.u32 v3, $0x1  }
0xfe: {  	v3 =	vand.u32 $0x7, v3;
	v4 =	vand.u32 $0xFFFFFFF0, v19  }
0xff: {  	v3 =	vor.u32 v3, v4  }
0x100: {  	v4 =	vperm.xlane v3, v0;
	_ =	sdelay $0x1  }
0x101: {  	v3 =	vperm.xlane v3, v2;
	v4 =	vadd.s32 v1, v4;
	_ =	sdelay $0x1  }
0x102: {  	v3 =	vadd.s32 v1, v3;
	_ =	sdelay $0x1  }
0x103: {  	s8 =	simm.s32 $0x13400  }
0x104: {  	[tilespmem:s8], [sflag:$0x5] =	stream.indirect_vreg.gather [hbm4b:s2+s3], $0x80, v4, vm0, $0xb8;
	[tilespmem:$0x18400] =	vst v63  }
0x105: {  	_ = 	snop  }
0x106: {  	[tilespmem:s9], [sflag:$0x5] =	stream.indirect_vreg.gather [hbm4b:s2+s3], $0x80, v3, vm0, $0xb8;
	[tilespmem:$0x18400] =	vst v63  }
0x107: {  	_ =	swait.ge [sflag:s17], $0x4000  }
0x108: {  	[sflag:s17] =	ssyncset.done $0x0  }
0x109: {  	s6 =	rddreg [dreg:$0x7];
	[sflag:s17] =	ssyncadd.s32 $0xFFFFC000  }
0x10a: {  	[hbm4b:s6+s3] =	stream.linear.scatter [tilespmem:s19], [sflag:$0xA], $0x4000, $0x38;
	[tilespmem:$0x18400] =	vst v63  }
0x10b: {  	v3 =	vld [tilespmem:$0x140];
	_ =	sdelay $0x4  }
0x10c: {  	v20 =	vshll.u32 v3, $0x1  }
0x10d: {  	v3 =	vand.u32 $0x7, v3;
	v4 =	vand.u32 $0xFFFFFFF0, v20  }
0x10e: {  	v3 =	vor.u32 v3, v4  }
0x10f: {  	v4 =	vperm.xlane v3, v0;
	_ =	sdelay $0x1  }
0x110: {  	v3 =	vperm.xlane v3, v2;
	v4 =	vadd.s32 v1, v4;
	_ =	sdelay $0x1  }
0x111: {  	v3 =	vadd.s32 v1, v3;
	_ =	sdelay $0x2  }
0x112: {  	[tilespmem:s10], [sflag:$0x6] =	stream.indirect_vreg.gather [hbm4b:s2+s3], $0x80, v4, vm0, $0xb8;
	[tilespmem:$0x18400] =	vst v63  }
0x113: {  	s6 =	simm.s32 $0x14C00  }
0x114: {  	[tilespmem:s6], [sflag:$0x6] =	stream.indirect_vreg.gather [hbm4b:s2+s3], $0x80, v3, vm0, $0xb8;
	[tilespmem:$0x18400] =	vst v63  }
0x115: {  	v3 =	vld [tilespmem:$0x150];
	_ =	sdelay $0x4  }
0x116: {  	v21 =	vshll.u32 v3, $0x1  }
0x117: {  	v3 =	vand.u32 $0x7, v3;
	v4 =	vand.u32 $0xFFFFFFF0, v21  }
0x118: {  	v3 =	vor.u32 v3, v4  }
0x119: {  	v4 =	vperm.xlane v3, v0;
	_ =	sdelay $0x1  }
0x11a: {  	v3 =	vperm.xlane v3, v2;
	v4 =	vadd.s32 v1, v4;
	_ =	sdelay $0x1  }
0x11b: {  	v3 =	vadd.s32 v1, v3;
	_ =	sdelay $0x1  }
0x11c: {  	s30 =	simm.s32 $0x15400  }
0x11d: {  	[tilespmem:s30], [sflag:$0x6] =	stream.indirect_vreg.gather [hbm4b:s2+s3], $0x80, v4, vm0, $0xb8;
	[tilespmem:$0x18400] =	vst v63  }
0x11e: {  	s31 =	simm.s32 $0x15C00  }
0x11f: {  	[tilespmem:s31], [sflag:$0x6] =	stream.indirect_vreg.gather [hbm4b:s2+s3], $0x80, v3, vm0, $0xb8;
	[tilespmem:$0x18400] =	vst v63  }
0x120: {  	v3 =	vld [tilespmem:$0x160];
	_ =	sdelay $0x4  }
0x121: {  	v22 =	vshll.u32 v3, $0x1  }
0x122: {  	v3 =	vand.u32 $0x7, v3;
	v4 =	vand.u32 $0xFFFFFFF0, v22  }
0x123: {  	v3 =	vor.u32 v3, v4  }
0x124: {  	v4 =	vperm.xlane v3, v0;
	_ =	sdelay $0x1  }
0x125: {  	v3 =	vperm.xlane v3, v2;
	v4 =	vadd.s32 v1, v4;
	_ =	sdelay $0x1  }
0x126: {  	v3 =	vadd.s32 v1, v3;
	_ =	sdelay $0x2  }
0x127: {  	[tilespmem:s28], [sflag:$0x6] =	stream.indirect_vreg.gather [hbm4b:s2+s3], $0x80, v4, vm0, $0xb8;
	[tilespmem:$0x18400] =	vst v63  }
0x128: {  	_ = 	snop  }
0x129: {  	[tilespmem:s29], [sflag:$0x6] =	stream.indirect_vreg.gather [hbm4b:s2+s3], $0x80, v3, vm0, $0xb8;
	[tilespmem:$0x18400] =	vst v63  }
0x12a: {  	v3 =	vld [tilespmem:$0x170];
	_ =	sdelay $0x4  }
0x12b: {  	v23 =	vshll.u32 v3, $0x1  }
0x12c: {  	v3 =	vand.u32 $0x7, v3;
	v4 =	vand.u32 $0xFFFFFFF0, v23  }
0x12d: {  	v3 =	vor.u32 v3, v4  }
0x12e: {  	v4 =	vperm.xlane v3, v0;
	_ =	sdelay $0x1  }
0x12f: {  	v3 =	vperm.xlane v3, v2;
	v4 =	vadd.s32 v1, v4;
	_ =	sdelay $0x1  }
0x130: {  	v3 =	vadd.s32 v1, v3;
	_ =	sdelay $0x1  }
0x131: {  	s31 =	simm.s32 $0x17400  }
0x132: {  	[tilespmem:s31], [sflag:$0x6] =	stream.indirect_vreg.gather [hbm4b:s2+s3], $0x80, v4, vm0, $0xb8;
	[tilespmem:$0x18400] =	vst v63  }
0x133: {  	s6 =	simm.s32 $0x5;
	s30 =	simm.s32 $0x17C00  }
0x134: {  	[tilespmem:s30], [sflag:$0x6] =	stream.indirect_vreg.gather [hbm4b:s2+s3], $0x80, v3, vm0, $0xb8;
	[tilespmem:$0x18400] =	vst v63  }
0x135: {  	_ =	swait.ge [sflag:s6], $0x4000  }
0x136: {  	[sflag:s6] =	ssyncset.done $0x0  }
0x137: {  	s30 =	rddreg [dreg:$0x8];
	[sflag:s6] =	ssyncadd.s32 $0xFFFFC000  }
0x138: {  	[hbm4b:s30+s3] =	stream.linear.scatter [tilespmem:s0], [sflag:$0xB], $0x4000, $0x38;
	[tilespmem:$0x18400] =	vst v63  }
0x139: {  	_ =	swait.ge [sflag:s20], $0x4000  }
0x13a: {  	[sflag:s20] =	ssyncset.done $0x0  }
0x13b: {  	[sflag:s20] =	ssyncadd.s32 $0xFFFFC000  }
0x13c: {  	v3 =	vld [tilespmem:$0x180];
	_ =	sdelay $0x4  }
0x13d: {  	v24 =	vshll.u32 v3, $0x1  }
0x13e: {  	v3 =	vand.u32 $0x7, v3;
	v4 =	vand.u32 $0xFFFFFFF0, v24  }
0x13f: {  	v3 =	vor.u32 v3, v4  }
0x140: {  	v4 =	vperm.xlane v3, v0;
	_ =	sdelay $0x1  }
0x141: {  	v3 =	vperm.xlane v3, v2;
	v4 =	vadd.s32 v1, v4;
	_ =	sdelay $0x1  }
0x142: {  	v3 =	vadd.s32 v1, v3;
	_ =	sdelay $0x2  }
0x143: {  	[tilespmem:s23], [sflag:$0x1] =	stream.indirect_vreg.gather [hbm4b:s2+s3], $0x80, v4, vm0, $0xb8;
	[tilespmem:$0x18400] =	vst v63  }
0x144: {  	s11 =	simm.s32 $0xC00  }
0x145: {  	[tilespmem:s11], [sflag:$0x1] =	stream.indirect_vreg.gather [hbm4b:s2+s3], $0x80, v3, vm0, $0xb8;
	[tilespmem:$0x18400] =	vst v63  }
0x146: {  	v3 =	vld [tilespmem:$0x190];
	_ =	sdelay $0x4  }
0x147: {  	v25 =	vshll.u32 v3, $0x1  }
0x148: {  	v3 =	vand.u32 $0x7, v3;
	v4 =	vand.u32 $0xFFFFFFF0, v25  }
0x149: {  	v3 =	vor.u32 v3, v4  }
0x14a: {  	v4 =	vperm.xlane v3, v0;
	_ =	sdelay $0x1  }
0x14b: {  	v3 =	vperm.xlane v3, v2;
	v4 =	vadd.s32 v1, v4;
	_ =	sdelay $0x1  }
0x14c: {  	v3 =	vadd.s32 v1, v3;
	_ =	sdelay $0x1  }
0x14d: {  	s30 =	simm.s32 $0x1400  }
0x14e: {  	[tilespmem:s30], [sflag:$0x1] =	stream.indirect_vreg.gather [hbm4b:s2+s3], $0x80, v4, vm0, $0xb8;
	[tilespmem:$0x18400] =	vst v63  }
0x14f: {  	s12 =	simm.s32 $0x1C00  }
0x150: {  	[tilespmem:s12], [sflag:$0x1] =	stream.indirect_vreg.gather [hbm4b:s2+s3], $0x80, v3, vm0, $0xb8;
	[tilespmem:$0x18400] =	vst v63  }
0x151: {  	v3 =	vld [tilespmem:$0x1A0];
	_ =	sdelay $0x4  }
0x152: {  	v26 =	vshll.u32 v3, $0x1  }
0x153: {  	v3 =	vand.u32 $0x7, v3;
	v4 =	vand.u32 $0xFFFFFFF0, v26  }
0x154: {  	v3 =	vor.u32 v3, v4  }
0x155: {  	v4 =	vperm.xlane v3, v0;
	_ =	sdelay $0x1  }
0x156: {  	v3 =	vperm.xlane v3, v2;
	v4 =	vadd.s32 v1, v4;
	_ =	sdelay $0x1  }
0x157: {  	v3 =	vadd.s32 v1, v3;
	_ =	sdelay $0x1  }
0x158: {  	s12 =	simm.s32 $0x2400  }
0x159: {  	[tilespmem:s12], [sflag:$0x1] =	stream.indirect_vreg.gather [hbm4b:s2+s3], $0x80, v4, vm0, $0xb8;
	[tilespmem:$0x18400] =	vst v63  }
0x15a: {  	s30 =	simm.s32 $0x2C00  }
0x15b: {  	[tilespmem:s30], [sflag:$0x1] =	stream.indirect_vreg.gather [hbm4b:s2+s3], $0x80, v3, vm0, $0xb8;
	[tilespmem:$0x18400] =	vst v63  }
0x15c: {  	v3 =	vld [tilespmem:$0x1B0];
	_ =	sdelay $0x4  }
0x15d: {  	v27 =	vshll.u32 v3, $0x1  }
0x15e: {  	v3 =	vand.u32 $0x7, v3;
	v4 =	vand.u32 $0xFFFFFFF0, v27  }
0x15f: {  	v3 =	vor.u32 v3, v4  }
0x160: {  	v4 =	vperm.xlane v3, v0;
	_ =	sdelay $0x1  }
0x161: {  	v3 =	vperm.xlane v3, v2;
	v4 =	vadd.s32 v1, v4;
	_ =	sdelay $0x1  }
0x162: {  	v3 =	vadd.s32 v1, v3;
	_ =	sdelay $0x1  }
0x163: {  	s12 =	simm.s32 $0x3400  }
0x164: {  	[tilespmem:s12], [sflag:$0x1] =	stream.indirect_vreg.gather [hbm4b:s2+s3], $0x80, v4, vm0, $0xb8;
	[tilespmem:$0x18400] =	vst v63  }
0x165: {  	s11 =	simm.s32 $0x6;
	s30 =	simm.s32 $0x3C00  }
0x166: {  	[tilespmem:s30], [sflag:$0x1] =	stream.indirect_vreg.gather [hbm4b:s2+s3], $0x80, v3, vm0, $0xb8;
	[tilespmem:$0x18400] =	vst v63  }
0x167: {  	_ =	swait.ge [sflag:s11], $0x4000  }
0x168: {  	[sflag:s11] =	ssyncset.done $0x0  }
0x169: {  	s12 =	rddreg [dreg:$0x9];
	[sflag:s11] =	ssyncadd.s32 $0xFFFFC000  }
0x16a: {  	[hbm4b:s12+s3] =	stream.linear.scatter [tilespmem:s10], [sflag:$0xC], $0x4000, $0x38;
	[tilespmem:$0x18400] =	vst v63  }
0x16b: {  	_ =	swait.ge [sflag:s22], $0x4000  }
0x16c: {  	[sflag:s22] =	ssyncset.done $0x0  }
0x16d: {  	[sflag:s22] =	ssyncadd.s32 $0xFFFFC000  }
0x16e: {  	v3 =	vld [tilespmem:$0x1C0];
	_ =	sdelay $0x4  }
0x16f: {  	v28 =	vshll.u32 v3, $0x1  }
0x170: {  	v3 =	vand.u32 $0x7, v3;
	v4 =	vand.u32 $0xFFFFFFF0, v28  }
0x171: {  	v3 =	vor.u32 v3, v4  }
0x172: {  	v4 =	vperm.xlane v3, v0;
	_ =	sdelay $0x1  }
0x173: {  	v3 =	vperm.xlane v3, v2;
	v4 =	vadd.s32 v1, v4;
	_ =	sdelay $0x1  }
0x174: {  	v3 =	vadd.s32 v1, v3;
	_ =	sdelay $0x2  }
0x175: {  	[tilespmem:s24], [sflag:$0x2] =	stream.indirect_vreg.gather [hbm4b:s2+s3], $0x80, v4, vm0, $0xb8;
	[tilespmem:$0x18400] =	vst v63  }
0x176: {  	s30 =	simm.s32 $0x4C00  }
0x177: {  	[tilespmem:s30], [sflag:$0x2] =	stream.indirect_vreg.gather [hbm4b:s2+s3], $0x80, v3, vm0, $0xb8;
	[tilespmem:$0x18400] =	vst v63  }
0x178: {  	v3 =	vld [tilespmem:$0x1D0];
	_ =	sdelay $0x4  }
0x179: {  	v29 =	vshll.u32 v3, $0x1  }
0x17a: {  	v3 =	vand.u32 $0x7, v3;
	v4 =	vand.u32 $0xFFFFFFF0, v29  }
0x17b: {  	v3 =	vor.u32 v3, v4  }
0x17c: {  	v4 =	vperm.xlane v3, v0;
	_ =	sdelay $0x1  }
0x17d: {  	v3 =	vperm.xlane v3, v2;
	v4 =	vadd.s32 v1, v4;
	_ =	sdelay $0x1  }
0x17e: {  	v3 =	vadd.s32 v1, v3;
	_ =	sdelay $0x1  }
0x17f: {  	s30 =	simm.s32 $0x5400  }
0x180: {  	[tilespmem:s30], [sflag:$0x2] =	stream.indirect_vreg.gather [hbm4b:s2+s3], $0x80, v4, vm0, $0xb8;
	[tilespmem:$0x18400] =	vst v63  }
0x181: {  	s30 =	simm.s32 $0x5C00  }
0x182: {  	[tilespmem:s30], [sflag:$0x2] =	stream.indirect_vreg.gather [hbm4b:s2+s3], $0x80, v3, vm0, $0xb8;
	[tilespmem:$0x18400] =	vst v63  }
0x183: {  	v3 =	vld [tilespmem:$0x1E0];
	_ =	sdelay $0x4  }
0x184: {  	v30 =	vshll.u32 v3, $0x1  }
0x185: {  	v3 =	vand.u32 $0x7, v3;
	v4 =	vand.u32 $0xFFFFFFF0, v30  }
0x186: {  	v3 =	vor.u32 v3, v4  }
0x187: {  	v4 =	vperm.xlane v3, v0;
	_ =	sdelay $0x1  }
0x188: {  	v3 =	vperm.xlane v3, v2;
	v4 =	vadd.s32 v1, v4;
	_ =	sdelay $0x1  }
0x189: {  	v3 =	vadd.s32 v1, v3;
	_ =	sdelay $0x1  }
0x18a: {  	s30 =	simm.s32 $0x6400  }
0x18b: {  	[tilespmem:s30], [sflag:$0x2] =	stream.indirect_vreg.gather [hbm4b:s2+s3], $0x80, v4, vm0, $0xb8;
	[tilespmem:$0x18400] =	vst v63  }
0x18c: {  	s30 =	simm.s32 $0x6C00  }
0x18d: {  	[tilespmem:s30], [sflag:$0x2] =	stream.indirect_vreg.gather [hbm4b:s2+s3], $0x80, v3, vm0, $0xb8;
	[tilespmem:$0x18400] =	vst v63  }
0x18e: {  	v3 =	vld [tilespmem:$0x1F0];
	_ =	sdelay $0x4  }
0x18f: {  	v31 =	vshll.u32 v3, $0x1  }
0x190: {  	v3 =	vand.u32 $0x7, v3;
	v4 =	vand.u32 $0xFFFFFFF0, v31  }
0x191: {  	v3 =	vor.u32 v3, v4  }
0x192: {  	v4 =	vperm.xlane v3, v0;
	_ =	sdelay $0x1  }
0x193: {  	v3 =	vperm.xlane v3, v2;
	v4 =	vadd.s32 v1, v4;
	_ =	sdelay $0x1  }
0x194: {  	v3 =	vadd.s32 v1, v3;
	_ =	sdelay $0x1  }
0x195: {  	s30 =	simm.s32 $0x7400  }
0x196: {  	[tilespmem:s30], [sflag:$0x2] =	stream.indirect_vreg.gather [hbm4b:s2+s3], $0x80, v4, vm0, $0xb8;
	[tilespmem:$0x18400] =	vst v63  }
0x197: {  	s30 =	simm.s32 $0x7C00  }
0x198: {  	[tilespmem:s30], [sflag:$0x2] =	stream.indirect_vreg.gather [hbm4b:s2+s3], $0x80, v3, vm0, $0xb8;
	[tilespmem:$0x18400] =	vst v63  }
0x199: {  	_ =	swait.ge [sflag:s21], $0x4000  }
0x19a: {  	[sflag:s21] =	ssyncset.done $0x0  }
0x19b: {  	s12 =	rddreg [dreg:$0xa];
	[sflag:s21] =	ssyncadd.s32 $0xFFFFC000  }
0x19c: {  	[hbm4b:s12+s3] =	stream.linear.scatter [tilespmem:s23], [sflag:$0x7], $0x4000, $0x38;
	[tilespmem:$0x18400] =	vst v63  }
0x19d: {  	_ =	swait.ge [sflag:s25], $0x4000  }
0x19e: {  	[sflag:s25] =	ssyncset.done $0x0  }
0x19f: {  	[sflag:s25] =	ssyncadd.s32 $0xFFFFC000  }
0x1a0: {  	v3 =	vld [tilespmem:$0x200];
	_ =	sdelay $0x4  }
0x1a1: {  	v32 =	vshll.u32 v3, $0x1  }
0x1a2: {  	v3 =	vand.u32 $0x7, v3;
	v4 =	vand.u32 $0xFFFFFFF0, v32  }
0x1a3: {  	v3 =	vor.u32 v3, v4  }
0x1a4: {  	v4 =	vperm.xlane v3, v0;
	_ =	sdelay $0x1  }
0x1a5: {  	v3 =	vperm.xlane v3, v2;
	v4 =	vadd.s32 v1, v4;
	_ =	sdelay $0x1  }
0x1a6: {  	v3 =	vadd.s32 v1, v3;
	_ =	sdelay $0x2  }
0x1a7: {  	[tilespmem:s4], [sflag:$0x3] =	stream.indirect_vreg.gather [hbm4b:s2+s3], $0x80, v4, vm0, $0xb8;
	[tilespmem:$0x18400] =	vst v63  }
0x1a8: {  	s30 =	simm.s32 $0x8C00  }
0x1a9: {  	[tilespmem:s30], [sflag:$0x3] =	stream.indirect_vreg.gather [hbm4b:s2+s3], $0x80, v3, vm0, $0xb8;
	[tilespmem:$0x18400] =	vst v63  }
0x1aa: {  	v3 =	vld [tilespmem:$0x210];
	_ =	sdelay $0x4  }
0x1ab: {  	v33 =	vshll.u32 v3, $0x1  }
0x1ac: {  	v3 =	vand.u32 $0x7, v3;
	v4 =	vand.u32 $0xFFFFFFF0, v33  }
0x1ad: {  	v3 =	vor.u32 v3, v4  }
0x1ae: {  	v4 =	vperm.xlane v3, v0;
	_ =	sdelay $0x1  }
0x1af: {  	v3 =	vperm.xlane v3, v2;
	v4 =	vadd.s32 v1, v4;
	_ =	sdelay $0x1  }
0x1b0: {  	v3 =	vadd.s32 v1, v3;
	_ =	sdelay $0x1  }
0x1b1: {  	s30 =	simm.s32 $0x9400  }
0x1b2: {  	[tilespmem:s30], [sflag:$0x3] =	stream.indirect_vreg.gather [hbm4b:s2+s3], $0x80, v4, vm0, $0xb8;
	[tilespmem:$0x18400] =	vst v63  }
0x1b3: {  	s30 =	simm.s32 $0x9C00  }
0x1b4: {  	[tilespmem:s30], [sflag:$0x3] =	stream.indirect_vreg.gather [hbm4b:s2+s3], $0x80, v3, vm0, $0xb8;
	[tilespmem:$0x18400] =	vst v63  }
0x1b5: {  	v3 =	vld [tilespmem:$0x220];
	_ =	sdelay $0x4  }
0x1b6: {  	v34 =	vshll.u32 v3, $0x1  }
0x1b7: {  	v3 =	vand.u32 $0x7, v3;
	v4 =	vand.u32 $0xFFFFFFF0, v34  }
0x1b8: {  	v3 =	vor.u32 v3, v4  }
0x1b9: {  	v4 =	vperm.xlane v3, v0;
	_ =	sdelay $0x1  }
0x1ba: {  	v3 =	vperm.xlane v3, v2;
	v4 =	vadd.s32 v1, v4;
	_ =	sdelay $0x1  }
0x1bb: {  	v3 =	vadd.s32 v1, v3;
	_ =	sdelay $0x1  }
0x1bc: {  	s30 =	simm.s32 $0xA400  }
0x1bd: {  	[tilespmem:s30], [sflag:$0x3] =	stream.indirect_vreg.gather [hbm4b:s2+s3], $0x80, v4, vm0, $0xb8;
	[tilespmem:$0x18400] =	vst v63  }
0x1be: {  	s30 =	simm.s32 $0xAC00  }
0x1bf: {  	[tilespmem:s30], [sflag:$0x3] =	stream.indirect_vreg.gather [hbm4b:s2+s3], $0x80, v3, vm0, $0xb8;
	[tilespmem:$0x18400] =	vst v63  }
0x1c0: {  	v3 =	vld [tilespmem:$0x230];
	_ =	sdelay $0x4  }
0x1c1: {  	v35 =	vshll.u32 v3, $0x1  }
0x1c2: {  	v3 =	vand.u32 $0x7, v3;
	v4 =	vand.u32 $0xFFFFFFF0, v35  }
0x1c3: {  	v3 =	vor.u32 v3, v4  }
0x1c4: {  	v4 =	vperm.xlane v3, v0;
	_ =	sdelay $0x1  }
0x1c5: {  	v3 =	vperm.xlane v3, v2;
	v4 =	vadd.s32 v1, v4;
	_ =	sdelay $0x1  }
0x1c6: {  	v3 =	vadd.s32 v1, v3;
	_ =	sdelay $0x1  }
0x1c7: {  	s30 =	simm.s32 $0xB400  }
0x1c8: {  	[tilespmem:s30], [sflag:$0x3] =	stream.indirect_vreg.gather [hbm4b:s2+s3], $0x80, v4, vm0, $0xb8;
	[tilespmem:$0x18400] =	vst v63  }
0x1c9: {  	s30 =	simm.s32 $0xBC00  }
0x1ca: {  	[tilespmem:s30], [sflag:$0x3] =	stream.indirect_vreg.gather [hbm4b:s2+s3], $0x80, v3, vm0, $0xb8;
	[tilespmem:$0x18400] =	vst v63  }
0x1cb: {  	_ =	swait.ge [sflag:s1], $0x4000  }
0x1cc: {  	[sflag:s1] =	ssyncset.done $0x0  }
0x1cd: {  	s12 =	rddreg [dreg:$0xb];
	[sflag:s1] =	ssyncadd.s32 $0xFFFFC000  }
0x1ce: {  	[hbm4b:s12+s3] =	stream.linear.scatter [tilespmem:s24], [sflag:$0x8], $0x4000, $0x38;
	[tilespmem:$0x18400] =	vst v63  }
0x1cf: {  	_ =	swait.ge [sflag:s26], $0x4000  }
0x1d0: {  	[sflag:s26] =	ssyncset.done $0x0  }
0x1d1: {  	[sflag:s26] =	ssyncadd.s32 $0xFFFFC000  }
0x1d2: {  	v3 =	vld [tilespmem:$0x240];
	_ =	sdelay $0x4  }
0x1d3: {  	v36 =	vshll.u32 v3, $0x1  }
0x1d4: {  	v3 =	vand.u32 $0x7, v3;
	v4 =	vand.u32 $0xFFFFFFF0, v36  }
0x1d5: {  	v3 =	vor.u32 v3, v4  }
0x1d6: {  	v4 =	vperm.xlane v3, v0;
	_ =	sdelay $0x1  }
0x1d7: {  	v3 =	vperm.xlane v3, v2;
	v4 =	vadd.s32 v1, v4;
	_ =	sdelay $0x1  }
0x1d8: {  	v3 =	vadd.s32 v1, v3;
	_ =	sdelay $0x2  }
0x1d9: {  	[tilespmem:s19], [sflag:$0x4] =	stream.indirect_vreg.gather [hbm4b:s2+s3], $0x80, v4, vm0, $0xb8;
	[tilespmem:$0x18400] =	vst v63  }
0x1da: {  	s30 =	simm.s32 $0xCC00  }
0x1db: {  	[tilespmem:s30], [sflag:$0x4] =	stream.indirect_vreg.gather [hbm4b:s2+s3], $0x80, v3, vm0, $0xb8;
	[tilespmem:$0x18400] =	vst v63  }
0x1dc: {  	v3 =	vld [tilespmem:$0x250];
	_ =	sdelay $0x4  }
0x1dd: {  	v37 =	vshll.u32 v3, $0x1  }
0x1de: {  	v3 =	vand.u32 $0x7, v3;
	v4 =	vand.u32 $0xFFFFFFF0, v37  }
0x1df: {  	v3 =	vor.u32 v3, v4  }
0x1e0: {  	v4 =	vperm.xlane v3, v0;
	_ =	sdelay $0x1  }
0x1e1: {  	v3 =	vperm.xlane v3, v2;
	v4 =	vadd.s32 v1, v4;
	_ =	sdelay $0x1  }
0x1e2: {  	v3 =	vadd.s32 v1, v3;
	_ =	sdelay $0x1  }
0x1e3: {  	s30 =	simm.s32 $0xD400  }
0x1e4: {  	[tilespmem:s30], [sflag:$0x4] =	stream.indirect_vreg.gather [hbm4b:s2+s3], $0x80, v4, vm0, $0xb8;
	[tilespmem:$0x18400] =	vst v63  }
0x1e5: {  	s30 =	simm.s32 $0xDC00  }
0x1e6: {  	[tilespmem:s30], [sflag:$0x4] =	stream.indirect_vreg.gather [hbm4b:s2+s3], $0x80, v3, vm0, $0xb8;
	[tilespmem:$0x18400] =	vst v63  }
0x1e7: {  	v3 =	vld [tilespmem:$0x260];
	_ =	sdelay $0x4  }
0x1e8: {  	v38 =	vshll.u32 v3, $0x1  }
0x1e9: {  	v3 =	vand.u32 $0x7, v3;
	v4 =	vand.u32 $0xFFFFFFF0, v38  }
0x1ea: {  	v3 =	vor.u32 v3, v4  }
0x1eb: {  	v4 =	vperm.xlane v3, v0;
	_ =	sdelay $0x1  }
0x1ec: {  	v3 =	vperm.xlane v3, v2;
	v4 =	vadd.s32 v1, v4;
	_ =	sdelay $0x1  }
0x1ed: {  	v3 =	vadd.s32 v1, v3;
	_ =	sdelay $0x1  }
0x1ee: {  	s30 =	simm.s32 $0xE400  }
0x1ef: {  	[tilespmem:s30], [sflag:$0x4] =	stream.indirect_vreg.gather [hbm4b:s2+s3], $0x80, v4, vm0, $0xb8;
	[tilespmem:$0x18400] =	vst v63  }
0x1f0: {  	s30 =	simm.s32 $0xEC00  }
0x1f1: {  	[tilespmem:s30], [sflag:$0x4] =	stream.indirect_vreg.gather [hbm4b:s2+s3], $0x80, v3, vm0, $0xb8;
	[tilespmem:$0x18400] =	vst v63  }
0x1f2: {  	v3 =	vld [tilespmem:$0x270];
	_ =	sdelay $0x4  }
0x1f3: {  	v39 =	vshll.u32 v3, $0x1  }
0x1f4: {  	v3 =	vand.u32 $0x7, v3;
	v4 =	vand.u32 $0xFFFFFFF0, v39  }
0x1f5: {  	v3 =	vor.u32 v3, v4  }
0x1f6: {  	v4 =	vperm.xlane v3, v0;
	_ =	sdelay $0x1  }
0x1f7: {  	v3 =	vperm.xlane v3, v2;
	v4 =	vadd.s32 v1, v4;
	_ =	sdelay $0x1  }
0x1f8: {  	v3 =	vadd.s32 v1, v3;
	_ =	sdelay $0x1  }
0x1f9: {  	s30 =	simm.s32 $0xF400  }
0x1fa: {  	[tilespmem:s30], [sflag:$0x4] =	stream.indirect_vreg.gather [hbm4b:s2+s3], $0x80, v4, vm0, $0xb8;
	[tilespmem:$0x18400] =	vst v63  }
0x1fb: {  	s30 =	simm.s32 $0xFC00  }
0x1fc: {  	[tilespmem:s30], [sflag:$0x4] =	stream.indirect_vreg.gather [hbm4b:s2+s3], $0x80, v3, vm0, $0xb8;
	[tilespmem:$0x18400] =	vst v63  }
0x1fd: {  	_ =	swait.ge [sflag:s14], $0x4000  }
0x1fe: {  	[sflag:s14] =	ssyncset.done $0x0  }
0x1ff: {  	s12 =	rddreg [dreg:$0xc];
	[sflag:s14] =	ssyncadd.s32 $0xFFFFC000  }
0x200: {  	[hbm4b:s12+s3] =	stream.linear.scatter [tilespmem:s4], [sflag:$0x9], $0x4000, $0x38;
	[tilespmem:$0x18400] =	vst v63  }
0x201: {  	s12 =	simm.s32 $0xB  }
0x202: {  	_ =	swait.ge [sflag:s12], $0x4000  }
0x203: {  	[sflag:s12] =	ssyncset.done $0x0  }
0x204: {  	[sflag:s12] =	ssyncadd.s32 $0xFFFFC000  }
0x205: {  	v3 =	vld [tilespmem:$0x280];
	_ =	sdelay $0x4  }
0x206: {  	v40 =	vshll.u32 v3, $0x1  }
0x207: {  	v3 =	vand.u32 $0x7, v3;
	v4 =	vand.u32 $0xFFFFFFF0, v40  }
0x208: {  	v3 =	vor.u32 v3, v4  }
0x209: {  	v4 =	vperm.xlane v3, v0;
	_ =	sdelay $0x1  }
0x20a: {  	v3 =	vperm.xlane v3, v2;
	v4 =	vadd.s32 v1, v4;
	_ =	sdelay $0x1  }
0x20b: {  	v3 =	vadd.s32 v1, v3;
	_ =	sdelay $0x2  }
0x20c: {  	[tilespmem:s0], [sflag:$0x5] =	stream.indirect_vreg.gather [hbm4b:s2+s3], $0x80, v4, vm0, $0xb8;
	[tilespmem:$0x18400] =	vst v63  }
0x20d: {  	_ = 	snop  }
0x20e: {  	[tilespmem:s15], [sflag:$0x5] =	stream.indirect_vreg.gather [hbm4b:s2+s3], $0x80, v3, vm0, $0xb8;
	[tilespmem:$0x18400] =	vst v63  }
0x20f: {  	v3 =	vld [tilespmem:$0x290];
	_ =	sdelay $0x4  }
0x210: {  	v41 =	vshll.u32 v3, $0x1  }
0x211: {  	v3 =	vand.u32 $0x7, v3;
	v4 =	vand.u32 $0xFFFFFFF0, v41  }
0x212: {  	v3 =	vor.u32 v3, v4  }
0x213: {  	v4 =	vperm.xlane v3, v0;
	_ =	sdelay $0x1  }
0x214: {  	v3 =	vperm.xlane v3, v2;
	v4 =	vadd.s32 v1, v4;
	_ =	sdelay $0x1  }
0x215: {  	v3 =	vadd.s32 v1, v3;
	_ =	sdelay $0x2  }
0x216: {  	[tilespmem:s13], [sflag:$0x5] =	stream.indirect_vreg.gather [hbm4b:s2+s3], $0x80, v4, vm0, $0xb8;
	[tilespmem:$0x18400] =	vst v63  }
0x217: {  	_ = 	snop  }
0x218: {  	[tilespmem:s16], [sflag:$0x5] =	stream.indirect_vreg.gather [hbm4b:s2+s3], $0x80, v3, vm0, $0xb8;
	[tilespmem:$0x18400] =	vst v63  }
0x219: {  	v3 =	vld [tilespmem:$0x2A0];
	_ =	sdelay $0x4  }
0x21a: {  	v42 =	vshll.u32 v3, $0x1  }
0x21b: {  	v3 =	vand.u32 $0x7, v3;
	v4 =	vand.u32 $0xFFFFFFF0, v42  }
0x21c: {  	v3 =	vor.u32 v3, v4  }
0x21d: {  	v4 =	vperm.xlane v3, v0;
	_ =	sdelay $0x1  }
0x21e: {  	v3 =	vperm.xlane v3, v2;
	v4 =	vadd.s32 v1, v4;
	_ =	sdelay $0x1  }
0x21f: {  	v3 =	vadd.s32 v1, v3;
	_ =	sdelay $0x2  }
0x220: {  	[tilespmem:s18], [sflag:$0x5] =	stream.indirect_vreg.gather [hbm4b:s2+s3], $0x80, v4, vm0, $0xb8;
	[tilespmem:$0x18400] =	vst v63  }
0x221: {  	_ = 	snop  }
0x222: {  	[tilespmem:s7], [sflag:$0x5] =	stream.indirect_vreg.gather [hbm4b:s2+s3], $0x80, v3, vm0, $0xb8;
	[tilespmem:$0x18400] =	vst v63  }
0x223: {  	v3 =	vld [tilespmem:$0x2B0];
	_ =	sdelay $0x4  }
0x224: {  	v43 =	vshll.u32 v3, $0x1  }
0x225: {  	v3 =	vand.u32 $0x7, v3;
	v4 =	vand.u32 $0xFFFFFFF0, v43  }
0x226: {  	v3 =	vor.u32 v3, v4  }
0x227: {  	v4 =	vperm.xlane v3, v0;
	_ =	sdelay $0x1  }
0x228: {  	v3 =	vperm.xlane v3, v2;
	v4 =	vadd.s32 v1, v4;
	_ =	sdelay $0x1  }
0x229: {  	v3 =	vadd.s32 v1, v3;
	_ =	sdelay $0x2  }
0x22a: {  	[tilespmem:s8], [sflag:$0x5] =	stream.indirect_vreg.gather [hbm4b:s2+s3], $0x80, v4, vm0, $0xb8;
	[tilespmem:$0x18400] =	vst v63  }
0x22b: {  	_ = 	snop  }
0x22c: {  	[tilespmem:s9], [sflag:$0x5] =	stream.indirect_vreg.gather [hbm4b:s2+s3], $0x80, v3, vm0, $0xb8;
	[tilespmem:$0x18400] =	vst v63  }
0x22d: {  	_ =	swait.ge [sflag:s17], $0x4000  }
0x22e: {  	[sflag:s17] =	ssyncset.done $0x0  }
0x22f: {  	s7 =	simm.s32 $0xC;
	s8 =	rddreg [dreg:$0xd];
	[sflag:s17] =	ssyncadd.s32 $0xFFFFC000  }
0x230: {  	[hbm4b:s8+s3] =	stream.linear.scatter [tilespmem:s19], [sflag:$0xA], $0x4000, $0x38;
	[tilespmem:$0x18400] =	vst v63  }
0x231: {  	_ =	swait.ge [sflag:s7], $0x4000  }
0x232: {  	[sflag:s7] =	ssyncset.done $0x0  }
0x233: {  	[sflag:s7] =	ssyncadd.s32 $0xFFFFC000  }
0x234: {  	v3 =	vld [tilespmem:$0x2C0];
	_ =	sdelay $0x4  }
0x235: {  	v44 =	vshll.u32 v3, $0x1  }
0x236: {  	v3 =	vand.u32 $0x7, v3;
	v4 =	vand.u32 $0xFFFFFFF0, v44  }
0x237: {  	v3 =	vor.u32 v3, v4  }
0x238: {  	v4 =	vperm.xlane v3, v0;
	_ =	sdelay $0x1  }
0x239: {  	v3 =	vperm.xlane v3, v2;
	v4 =	vadd.s32 v1, v4;
	_ =	sdelay $0x1  }
0x23a: {  	v3 =	vadd.s32 v1, v3;
	_ =	sdelay $0x2  }
0x23b: {  	[tilespmem:s10], [sflag:$0x6] =	stream.indirect_vreg.gather [hbm4b:s2+s3], $0x80, v4, vm0, $0xb8;
	[tilespmem:$0x18400] =	vst v63  }
0x23c: {  	s30 =	simm.s32 $0x14C00  }
0x23d: {  	[tilespmem:s30], [sflag:$0x6] =	stream.indirect_vreg.gather [hbm4b:s2+s3], $0x80, v3, vm0, $0xb8;
	[tilespmem:$0x18400] =	vst v63  }
0x23e: {  	v3 =	vld [tilespmem:$0x2D0];
	_ =	sdelay $0x4  }
0x23f: {  	v45 =	vshll.u32 v3, $0x1  }
0x240: {  	v3 =	vand.u32 $0x7, v3;
	v4 =	vand.u32 $0xFFFFFFF0, v45  }
0x241: {  	v3 =	vor.u32 v3, v4  }
0x242: {  	v4 =	vperm.xlane v3, v0;
	_ =	sdelay $0x1  }
0x243: {  	v3 =	vperm.xlane v3, v2;
	v4 =	vadd.s32 v1, v4;
	_ =	sdelay $0x1  }
0x244: {  	v3 =	vadd.s32 v1, v3;
	_ =	sdelay $0x1  }
0x245: {  	s30 =	simm.s32 $0x15400  }
0x246: {  	[tilespmem:s30], [sflag:$0x6] =	stream.indirect_vreg.gather [hbm4b:s2+s3], $0x80, v4, vm0, $0xb8;
	[tilespmem:$0x18400] =	vst v63  }
0x247: {  	s30 =	simm.s32 $0x15C00  }
0x248: {  	[tilespmem:s30], [sflag:$0x6] =	stream.indirect_vreg.gather [hbm4b:s2+s3], $0x80, v3, vm0, $0xb8;
	[tilespmem:$0x18400] =	vst v63  }
0x249: {  	v3 =	vld [tilespmem:$0x2E0];
	_ =	sdelay $0x4  }
0x24a: {  	v46 =	vshll.u32 v3, $0x1  }
0x24b: {  	v3 =	vand.u32 $0x7, v3;
	v4 =	vand.u32 $0xFFFFFFF0, v46  }
0x24c: {  	v3 =	vor.u32 v3, v4  }
0x24d: {  	v4 =	vperm.xlane v3, v0;
	_ =	sdelay $0x1  }
0x24e: {  	v3 =	vperm.xlane v3, v2;
	v4 =	vadd.s32 v1, v4;
	_ =	sdelay $0x1  }
0x24f: {  	v3 =	vadd.s32 v1, v3;
	_ =	sdelay $0x2  }
0x250: {  	[tilespmem:s28], [sflag:$0x6] =	stream.indirect_vreg.gather [hbm4b:s2+s3], $0x80, v4, vm0, $0xb8;
	[tilespmem:$0x18400] =	vst v63  }
0x251: {  	_ = 	snop  }
0x252: {  	[tilespmem:s29], [sflag:$0x6] =	stream.indirect_vreg.gather [hbm4b:s2+s3], $0x80, v3, vm0, $0xb8;
	[tilespmem:$0x18400] =	vst v63  }
0x253: {  	v3 =	vld [tilespmem:$0x2F0];
	_ =	sdelay $0x4  }
0x254: {  	v47 =	vshll.u32 v3, $0x1  }
0x255: {  	v3 =	vand.u32 $0x7, v3;
	v4 =	vand.u32 $0xFFFFFFF0, v47  }
0x256: {  	v3 =	vor.u32 v3, v4  }
0x257: {  	v4 =	vperm.xlane v3, v0;
	_ =	sdelay $0x1  }
0x258: {  	v3 =	vperm.xlane v3, v2;
	v4 =	vadd.s32 v1, v4;
	_ =	sdelay $0x1  }
0x259: {  	v3 =	vadd.s32 v1, v3;
	_ =	sdelay $0x2  }
0x25a: {  	[tilespmem:s31], [sflag:$0x6] =	stream.indirect_vreg.gather [hbm4b:s2+s3], $0x80, v4, vm0, $0xb8;
	[tilespmem:$0x18400] =	vst v63  }
0x25b: {  	s30 =	simm.s32 $0x17C00  }
0x25c: {  	[tilespmem:s30], [sflag:$0x6] =	stream.indirect_vreg.gather [hbm4b:s2+s3], $0x80, v3, vm0, $0xb8;
	[tilespmem:$0x18400] =	vst v63  }
0x25d: {  	_ =	swait.ge [sflag:s6], $0x4000  }
0x25e: {  	[sflag:s6] =	ssyncset.done $0x0  }
0x25f: {  	s31 =	rddreg [dreg:$0xe];
	[sflag:s6] =	ssyncadd.s32 $0xFFFFC000  }
0x260: {  	[hbm4b:s31+s3] =	stream.linear.scatter [tilespmem:s0], [sflag:$0xB], $0x4000, $0x38;
	[tilespmem:$0x18400] =	vst v63  }
0x261: {  	_ =	swait.ge [sflag:s20], $0x4000  }
0x262: {  	[sflag:s20] =	ssyncset.done $0x0  }
0x263: {  	[sflag:s20] =	ssyncadd.s32 $0xFFFFC000  }
0x264: {  	v3 =	vld [tilespmem:$0x300];
	_ =	sdelay $0x4  }
0x265: {  	v48 =	vshll.u32 v3, $0x1  }
0x266: {  	v3 =	vand.u32 $0x7, v3;
	v4 =	vand.u32 $0xFFFFFFF0, v48  }
0x267: {  	v3 =	vor.u32 v3, v4  }
0x268: {  	v4 =	vperm.xlane v3, v0;
	_ =	sdelay $0x1  }
0x269: {  	v3 =	vperm.xlane v3, v2;
	v4 =	vadd.s32 v1, v4;
	_ =	sdelay $0x1  }
0x26a: {  	v3 =	vadd.s32 v1, v3;
	_ =	sdelay $0x2  }
0x26b: {  	[tilespmem:s23], [sflag:$0x1] =	stream.indirect_vreg.gather [hbm4b:s2+s3], $0x80, v4, vm0, $0xb8;
	[tilespmem:$0x18400] =	vst v63  }
0x26c: {  	s8 =	simm.s32 $0xC00  }
0x26d: {  	[tilespmem:s8], [sflag:$0x1] =	stream.indirect_vreg.gather [hbm4b:s2+s3], $0x80, v3, vm0, $0xb8;
	[tilespmem:$0x18400] =	vst v63  }
0x26e: {  	v3 =	vld [tilespmem:$0x310];
	_ =	sdelay $0x4  }
0x26f: {  	v49 =	vshll.u32 v3, $0x1  }
0x270: {  	v3 =	vand.u32 $0x7, v3;
	v4 =	vand.u32 $0xFFFFFFF0, v49  }
0x271: {  	v3 =	vor.u32 v3, v4  }
0x272: {  	v4 =	vperm.xlane v3, v0;
	_ =	sdelay $0x1  }
0x273: {  	v3 =	vperm.xlane v3, v2;
	v4 =	vadd.s32 v1, v4;
	_ =	sdelay $0x1  }
0x274: {  	v3 =	vadd.s32 v1, v3;
	_ =	sdelay $0x1  }
0x275: {  	s30 =	simm.s32 $0x1400  }
0x276: {  	[tilespmem:s30], [sflag:$0x1] =	stream.indirect_vreg.gather [hbm4b:s2+s3], $0x80, v4, vm0, $0xb8;
	[tilespmem:$0x18400] =	vst v63  }
0x277: {  	s31 =	simm.s32 $0x1C00  }
0x278: {  	[tilespmem:s31], [sflag:$0x1] =	stream.indirect_vreg.gather [hbm4b:s2+s3], $0x80, v3, vm0, $0xb8;
	[tilespmem:$0x18400] =	vst v63  }
0x279: {  	v3 =	vld [tilespmem:$0x320];
	_ =	sdelay $0x4  }
0x27a: {  	v50 =	vshll.u32 v3, $0x1  }
0x27b: {  	v3 =	vand.u32 $0x7, v3;
	v4 =	vand.u32 $0xFFFFFFF0, v50  }
0x27c: {  	v3 =	vor.u32 v3, v4  }
0x27d: {  	v4 =	vperm.xlane v3, v0;
	_ =	sdelay $0x1  }
0x27e: {  	v3 =	vperm.xlane v3, v2;
	v4 =	vadd.s32 v1, v4;
	_ =	sdelay $0x1  }
0x27f: {  	v3 =	vadd.s32 v1, v3;
	_ =	sdelay $0x1  }
0x280: {  	s6 =	simm.s32 $0x2400  }
0x281: {  	[tilespmem:s6], [sflag:$0x1] =	stream.indirect_vreg.gather [hbm4b:s2+s3], $0x80, v4, vm0, $0xb8;
	[tilespmem:$0x18400] =	vst v63  }
0x282: {  	s8 =	simm.s32 $0x2C00  }
0x283: {  	[tilespmem:s8], [sflag:$0x1] =	stream.indirect_vreg.gather [hbm4b:s2+s3], $0x80, v3, vm0, $0xb8;
	[tilespmem:$0x18400] =	vst v63  }
0x284: {  	v3 =	vld [tilespmem:$0x330];
	_ =	sdelay $0x4  }
0x285: {  	v51 =	vshll.u32 v3, $0x1  }
0x286: {  	v3 =	vand.u32 $0x7, v3;
	v4 =	vand.u32 $0xFFFFFFF0, v51  }
0x287: {  	v3 =	vor.u32 v3, v4  }
0x288: {  	v4 =	vperm.xlane v3, v0;
	_ =	sdelay $0x1  }
0x289: {  	v3 =	vperm.xlane v3, v2;
	v4 =	vadd.s32 v1, v4;
	_ =	sdelay $0x1  }
0x28a: {  	v3 =	vadd.s32 v1, v3;
	_ =	sdelay $0x1  }
0x28b: {  	s30 =	simm.s32 $0x3400  }
0x28c: {  	[tilespmem:s30], [sflag:$0x1] =	stream.indirect_vreg.gather [hbm4b:s2+s3], $0x80, v4, vm0, $0xb8;
	[tilespmem:$0x18400] =	vst v63  }
0x28d: {  	s31 =	simm.s32 $0x3C00  }
0x28e: {  	[tilespmem:s31], [sflag:$0x1] =	stream.indirect_vreg.gather [hbm4b:s2+s3], $0x80, v3, vm0, $0xb8;
	[tilespmem:$0x18400] =	vst v63  }
0x28f: {  	_ =	swait.ge [sflag:s11], $0x4000  }
0x290: {  	[sflag:s11] =	ssyncset.done $0x0  }
0x291: {  	s0 =	rddreg [dreg:$0xf];
	[sflag:s11] =	ssyncadd.s32 $0xFFFFC000  }
0x292: {  	[hbm4b:s0+s3] =	stream.linear.scatter [tilespmem:s10], [sflag:$0xC], $0x4000, $0x38;
	[tilespmem:$0x18400] =	vst v63  }
0x293: {  	_ =	swait.ge [sflag:s22], $0x4000  }
0x294: {  	[sflag:s22] =	ssyncset.done $0x0  }
0x295: {  	[sflag:s22] =	ssyncadd.s32 $0xFFFFC000  }
0x296: {  	v3 =	vld [tilespmem:$0x340];
	_ =	sdelay $0x4  }
0x297: {  	v52 =	vshll.u32 v3, $0x1  }
0x298: {  	v3 =	vand.u32 $0x7, v3;
	v4 =	vand.u32 $0xFFFFFFF0, v52  }
0x299: {  	v3 =	vor.u32 v3, v4  }
0x29a: {  	v4 =	vperm.xlane v3, v0;
	_ =	sdelay $0x1  }
0x29b: {  	v3 =	vperm.xlane v3, v2;
	v4 =	vadd.s32 v1, v4;
	_ =	sdelay $0x1  }
0x29c: {  	v3 =	vadd.s32 v1, v3;
	_ =	sdelay $0x2  }
0x29d: {  	[tilespmem:s24], [sflag:$0x2] =	stream.indirect_vreg.gather [hbm4b:s2+s3], $0x80, v4, vm0, $0xb8;
	[tilespmem:$0x18400] =	vst v63  }
0x29e: {  	s6 =	simm.s32 $0x4C00  }
0x29f: {  	[tilespmem:s6], [sflag:$0x2] =	stream.indirect_vreg.gather [hbm4b:s2+s3], $0x80, v3, vm0, $0xb8;
	[tilespmem:$0x18400] =	vst v63  }
0x2a0: {  	v3 =	vld [tilespmem:$0x350];
	_ =	sdelay $0x4  }
0x2a1: {  	v53 =	vshll.u32 v3, $0x1  }
0x2a2: {  	v3 =	vand.u32 $0x7, v3;
	v4 =	vand.u32 $0xFFFFFFF0, v53  }
0x2a3: {  	v3 =	vor.u32 v3, v4  }
0x2a4: {  	v4 =	vperm.xlane v3, v0;
	_ =	sdelay $0x1  }
0x2a5: {  	v3 =	vperm.xlane v3, v2;
	v4 =	vadd.s32 v1, v4;
	_ =	sdelay $0x1  }
0x2a6: {  	v3 =	vadd.s32 v1, v3;
	_ =	sdelay $0x1  }
0x2a7: {  	s8 =	simm.s32 $0x5400  }
0x2a8: {  	[tilespmem:s8], [sflag:$0x2] =	stream.indirect_vreg.gather [hbm4b:s2+s3], $0x80, v4, vm0, $0xb8;
	[tilespmem:$0x18400] =	vst v63  }
0x2a9: {  	s11 =	simm.s32 $0x5C00  }
0x2aa: {  	[tilespmem:s11], [sflag:$0x2] =	stream.indirect_vreg.gather [hbm4b:s2+s3], $0x80, v3, vm0, $0xb8;
	[tilespmem:$0x18400] =	vst v63  }
0x2ab: {  	v3 =	vld [tilespmem:$0x360];
	_ =	sdelay $0x4  }
0x2ac: {  	v54 =	vshll.u32 v3, $0x1  }
0x2ad: {  	v3 =	vand.u32 $0x7, v3;
	v4 =	vand.u32 $0xFFFFFFF0, v54  }
0x2ae: {  	v3 =	vor.u32 v3, v4  }
0x2af: {  	v4 =	vperm.xlane v3, v0;
	_ =	sdelay $0x1  }
0x2b0: {  	v3 =	vperm.xlane v3, v2;
	v4 =	vadd.s32 v1, v4;
	_ =	sdelay $0x1  }
0x2b1: {  	v3 =	vadd.s32 v1, v3;
	_ =	sdelay $0x1  }
0x2b2: {  	s30 =	simm.s32 $0x6400  }
0x2b3: {  	[tilespmem:s30], [sflag:$0x2] =	stream.indirect_vreg.gather [hbm4b:s2+s3], $0x80, v4, vm0, $0xb8;
	[tilespmem:$0x18400] =	vst v63  }
0x2b4: {  	s31 =	simm.s32 $0x6C00  }
0x2b5: {  	[tilespmem:s31], [sflag:$0x2] =	stream.indirect_vreg.gather [hbm4b:s2+s3], $0x80, v3, vm0, $0xb8;
	[tilespmem:$0x18400] =	vst v63  }
0x2b6: {  	v3 =	vld [tilespmem:$0x370];
	_ =	sdelay $0x4  }
0x2b7: {  	v55 =	vshll.u32 v3, $0x1  }
0x2b8: {  	v3 =	vand.u32 $0x7, v3;
	v4 =	vand.u32 $0xFFFFFFF0, v55  }
0x2b9: {  	v3 =	vor.u32 v3, v4  }
0x2ba: {  	v4 =	vperm.xlane v3, v0;
	_ =	sdelay $0x1  }
0x2bb: {  	v3 =	vperm.xlane v3, v2;
	v4 =	vadd.s32 v1, v4;
	_ =	sdelay $0x1  }
0x2bc: {  	v3 =	vadd.s32 v1, v3;
	_ =	sdelay $0x1  }
0x2bd: {  	s6 =	simm.s32 $0x7400  }
0x2be: {  	[tilespmem:s6], [sflag:$0x2] =	stream.indirect_vreg.gather [hbm4b:s2+s3], $0x80, v4, vm0, $0xb8;
	[tilespmem:$0x18400] =	vst v63  }
0x2bf: {  	s8 =	simm.s32 $0x7C00  }
0x2c0: {  	[tilespmem:s8], [sflag:$0x2] =	stream.indirect_vreg.gather [hbm4b:s2+s3], $0x80, v3, vm0, $0xb8;
	[tilespmem:$0x18400] =	vst v63  }
0x2c1: {  	_ =	swait.ge [sflag:s21], $0x4000  }
0x2c2: {  	[sflag:s21] =	ssyncset.done $0x0  }
0x2c3: {  	s11 =	rddreg [dreg:$0x10];
	[sflag:s21] =	ssyncadd.s32 $0xFFFFC000  }
0x2c4: {  	[hbm4b:s11+s3] =	stream.linear.scatter [tilespmem:s23], [sflag:$0x7], $0x4000, $0x38;
	[tilespmem:$0x18400] =	vst v63  }
0x2c5: {  	_ =	swait.ge [sflag:s25], $0x4000  }
0x2c6: {  	[sflag:s25] =	ssyncset.done $0x0  }
0x2c7: {  	[sflag:s25] =	ssyncadd.s32 $0xFFFFC000  }
0x2c8: {  	v3 =	vld [tilespmem:$0x380];
	_ =	sdelay $0x4  }
0x2c9: {  	v56 =	vshll.u32 v3, $0x1  }
0x2ca: {  	v3 =	vand.u32 $0x7, v3;
	v4 =	vand.u32 $0xFFFFFFF0, v56  }
0x2cb: {  	v3 =	vor.u32 v3, v4  }
0x2cc: {  	v4 =	vperm.xlane v3, v0;
	_ =	sdelay $0x1  }
0x2cd: {  	v3 =	vperm.xlane v3, v2;
	v4 =	vadd.s32 v1, v4;
	_ =	sdelay $0x1  }
0x2ce: {  	v3 =	vadd.s32 v1, v3;
	_ =	sdelay $0x2  }
0x2cf: {  	[tilespmem:s4], [sflag:$0x3] =	stream.indirect_vreg.gather [hbm4b:s2+s3], $0x80, v4, vm0, $0xb8;
	[tilespmem:$0x18400] =	vst v63  }
0x2d0: {  	s30 =	simm.s32 $0x8C00  }
0x2d1: {  	[tilespmem:s30], [sflag:$0x3] =	stream.indirect_vreg.gather [hbm4b:s2+s3], $0x80, v3, vm0, $0xb8;
	[tilespmem:$0x18400] =	vst v63  }
0x2d2: {  	v3 =	vld [tilespmem:$0x390];
	_ =	sdelay $0x4  }
0x2d3: {  	v57 =	vshll.u32 v3, $0x1  }
0x2d4: {  	v3 =	vand.u32 $0x7, v3;
	v4 =	vand.u32 $0xFFFFFFF0, v57  }
0x2d5: {  	v3 =	vor.u32 v3, v4  }
0x2d6: {  	v4 =	vperm.xlane v3, v0;
	_ =	sdelay $0x1  }
0x2d7: {  	v3 =	vperm.xlane v3, v2;
	v4 =	vadd.s32 v1, v4;
	_ =	sdelay $0x1  }
0x2d8: {  	v3 =	vadd.s32 v1, v3;
	_ =	sdelay $0x1  }
0x2d9: {  	s31 =	simm.s32 $0x9400  }
0x2da: {  	[tilespmem:s31], [sflag:$0x3] =	stream.indirect_vreg.gather [hbm4b:s2+s3], $0x80, v4, vm0, $0xb8;
	[tilespmem:$0x18400] =	vst v63  }
0x2db: {  	s6 =	simm.s32 $0x9C00  }
0x2dc: {  	[tilespmem:s6], [sflag:$0x3] =	stream.indirect_vreg.gather [hbm4b:s2+s3], $0x80, v3, vm0, $0xb8;
	[tilespmem:$0x18400] =	vst v63  }
0x2dd: {  	v3 =	vld [tilespmem:$0x3A0];
	_ =	sdelay $0x4  }
0x2de: {  	v58 =	vshll.u32 v3, $0x1  }
0x2df: {  	v3 =	vand.u32 $0x7, v3;
	v4 =	vand.u32 $0xFFFFFFF0, v58  }
0x2e0: {  	v3 =	vor.u32 v3, v4  }
0x2e1: {  	v4 =	vperm.xlane v3, v0;
	_ =	sdelay $0x1  }
0x2e2: {  	v3 =	vperm.xlane v3, v2;
	v4 =	vadd.s32 v1, v4;
	_ =	sdelay $0x1  }
0x2e3: {  	v3 =	vadd.s32 v1, v3;
	_ =	sdelay $0x1  }
0x2e4: {  	s8 =	simm.s32 $0xA400  }
0x2e5: {  	[tilespmem:s8], [sflag:$0x3] =	stream.indirect_vreg.gather [hbm4b:s2+s3], $0x80, v4, vm0, $0xb8;
	[tilespmem:$0x18400] =	vst v63  }
0x2e6: {  	s11 =	simm.s32 $0xAC00  }
0x2e7: {  	[tilespmem:s11], [sflag:$0x3] =	stream.indirect_vreg.gather [hbm4b:s2+s3], $0x80, v3, vm0, $0xb8;
	[tilespmem:$0x18400] =	vst v63  }
0x2e8: {  	v3 =	vld [tilespmem:$0x3B0];
	_ =	sdelay $0x4  }
0x2e9: {  	v59 =	vshll.u32 v3, $0x1  }
0x2ea: {  	v3 =	vand.u32 $0x7, v3;
	v4 =	vand.u32 $0xFFFFFFF0, v59  }
0x2eb: {  	v3 =	vor.u32 v3, v4  }
0x2ec: {  	v4 =	vperm.xlane v3, v0;
	_ =	sdelay $0x1  }
0x2ed: {  	v3 =	vperm.xlane v3, v2;
	v4 =	vadd.s32 v1, v4;
	_ =	sdelay $0x1  }
0x2ee: {  	v3 =	vadd.s32 v1, v3;
	_ =	sdelay $0x1  }
0x2ef: {  	s30 =	simm.s32 $0xB400  }
0x2f0: {  	[tilespmem:s30], [sflag:$0x3] =	stream.indirect_vreg.gather [hbm4b:s2+s3], $0x80, v4, vm0, $0xb8;
	[tilespmem:$0x18400] =	vst v63  }
0x2f1: {  	s31 =	simm.s32 $0xBC00  }
0x2f2: {  	[tilespmem:s31], [sflag:$0x3] =	stream.indirect_vreg.gather [hbm4b:s2+s3], $0x80, v3, vm0, $0xb8;
	[tilespmem:$0x18400] =	vst v63  }
0x2f3: {  	_ =	swait.ge [sflag:s1], $0x4000  }
0x2f4: {  	[sflag:s1] =	ssyncset.done $0x0  }
0x2f5: {  	s0 =	rddreg [dreg:$0x11];
	[sflag:s1] =	ssyncadd.s32 $0xFFFFC000  }
0x2f6: {  	[hbm4b:s0+s3] =	stream.linear.scatter [tilespmem:s24], [sflag:$0x8], $0x4000, $0x38;
	[tilespmem:$0x18400] =	vst v63  }
0x2f7: {  	_ =	swait.ge [sflag:s26], $0x4000  }
0x2f8: {  	[sflag:s26] =	ssyncset.done $0x0  }
0x2f9: {  	[sflag:s26] =	ssyncadd.s32 $0xFFFFC000  }
0x2fa: {  	v3 =	vld [tilespmem:$0x3C0];
	_ =	sdelay $0x4  }
0x2fb: {  	v60 =	vshll.u32 v3, $0x1  }
0x2fc: {  	v3 =	vand.u32 $0x7, v3;
	v4 =	vand.u32 $0xFFFFFFF0, v60  }
0x2fd: {  	v3 =	vor.u32 v3, v4  }
0x2fe: {  	v4 =	vperm.xlane v3, v0;
	_ =	sdelay $0x1  }
0x2ff: {  	v3 =	vperm.xlane v3, v2;
	v4 =	vadd.s32 v1, v4;
	_ =	sdelay $0x1  }
0x300: {  	v3 =	vadd.s32 v1, v3;
	_ =	sdelay $0x2  }
0x301: {  	[tilespmem:s19], [sflag:$0x4] =	stream.indirect_vreg.gather [hbm4b:s2+s3], $0x80, v4, vm0, $0xb8;
	[tilespmem:$0x18400] =	vst v63  }
0x302: {  	s6 =	simm.s32 $0xCC00  }
0x303: {  	[tilespmem:s6], [sflag:$0x4] =	stream.indirect_vreg.gather [hbm4b:s2+s3], $0x80, v3, vm0, $0xb8;
	[tilespmem:$0x18400] =	vst v63  }
0x304: {  	v3 =	vld [tilespmem:$0x3D0];
	_ =	sdelay $0x4  }
0x305: {  	v61 =	vshll.u32 v3, $0x1  }
0x306: {  	v3 =	vand.u32 $0x7, v3;
	v4 =	vand.u32 $0xFFFFFFF0, v61  }
0x307: {  	v3 =	vor.u32 v3, v4  }
0x308: {  	v4 =	vperm.xlane v3, v0;
	_ =	sdelay $0x1  }
0x309: {  	v3 =	vperm.xlane v3, v2;
	v4 =	vadd.s32 v1, v4;
	_ =	sdelay $0x1  }
0x30a: {  	v3 =	vadd.s32 v1, v3;
	_ =	sdelay $0x1  }
0x30b: {  	s8 =	simm.s32 $0xD400  }
0x30c: {  	[tilespmem:s8], [sflag:$0x4] =	stream.indirect_vreg.gather [hbm4b:s2+s3], $0x80, v4, vm0, $0xb8;
	[tilespmem:$0x18400] =	vst v63  }
0x30d: {  	s11 =	simm.s32 $0xDC00  }
0x30e: {  	[tilespmem:s11], [sflag:$0x4] =	stream.indirect_vreg.gather [hbm4b:s2+s3], $0x80, v3, vm0, $0xb8;
	[tilespmem:$0x18400] =	vst v63  }
0x30f: {  	v3 =	vld [tilespmem:$0x3E0];
	_ =	sdelay $0x4  }
0x310: {  	v62 =	vshll.u32 v3, $0x1  }
0x311: {  	v3 =	vand.u32 $0x7, v3;
	v4 =	vand.u32 $0xFFFFFFF0, v62  }
0x312: {  	v3 =	vor.u32 v3, v4  }
0x313: {  	v4 =	vperm.xlane v3, v0;
	_ =	sdelay $0x1  }
0x314: {  	v3 =	vperm.xlane v3, v2;
	v4 =	vadd.s32 v1, v4;
	_ =	sdelay $0x1  }
0x315: {  	v3 =	vadd.s32 v1, v3;
	_ =	sdelay $0x1  }
0x316: {  	s30 =	simm.s32 $0xE400  }
0x317: {  	[tilespmem:s30], [sflag:$0x4] =	stream.indirect_vreg.gather [hbm4b:s2+s3], $0x80, v4, vm0, $0xb8;
	[tilespmem:$0x18400] =	vst v63  }
0x318: {  	s31 =	simm.s32 $0xEC00  }
0x319: {  	[tilespmem:s31], [sflag:$0x4] =	stream.indirect_vreg.gather [hbm4b:s2+s3], $0x80, v3, vm0, $0xb8;
	[tilespmem:$0x18400] =	vst v63  }
0x31a: {  	v3 =	vld [tilespmem:$0x3F0];
	_ =	sdelay $0x4  }
0x31b: {  	v63 =	vshll.u32 v3, $0x1  }
0x31c: {  	v3 =	vand.u32 $0x7, v3;
	v4 =	vand.u32 $0xFFFFFFF0, v63  }
0x31d: {  	v3 =	vor.u32 v3, v4  }
0x31e: {  	v4 =	vperm.xlane v3, v0;
	_ =	sdelay $0x1  }
0x31f: {  	v3 =	vperm.xlane v3, v2;
	v4 =	vadd.s32 v1, v4;
	_ =	sdelay $0x1  }
0x320: {  	v3 =	vadd.s32 v1, v3;
	_ =	sdelay $0x1  }
0x321: {  	s6 =	simm.s32 $0xF400  }
0x322: {  	[tilespmem:s6], [sflag:$0x4] =	stream.indirect_vreg.gather [hbm4b:s2+s3], $0x80, v4, vm0, $0xb8;
	[tilespmem:$0x18400] =	vst v63  }
0x323: {  	s8 =	simm.s32 $0xFC00  }
0x324: {  	[tilespmem:s8], [sflag:$0x4] =	stream.indirect_vreg.gather [hbm4b:s2+s3], $0x80, v3, vm0, $0xb8;
	[tilespmem:$0x18400] =	vst v63  }
0x325: {  	_ =	swait.ge [sflag:s14], $0x4000  }
0x326: {  	[sflag:s14] =	ssyncset.done $0x0  }
0x327: {  	s11 =	rddreg [dreg:$0x12];
	[sflag:s14] =	ssyncadd.s32 $0xFFFFC000  }
0x328: {  	[hbm4b:s11+s3] =	stream.linear.scatter [tilespmem:s4], [sflag:$0x9], $0x4000, $0x38;
	[tilespmem:$0x18400] =	vst v63  }
0x329: {  	_ =	swait.ge [sflag:s17], $0x4000  }
0x32a: {  	[sflag:s17] =	ssyncset.done $0x0  }
0x32b: {  	s31 =	rddreg [dreg:$0x13];
	[sflag:s17] =	ssyncadd.s32 $0xFFFFC000  }
0x32c: {  	[hbm4b:s31+s3] =	stream.linear.scatter [tilespmem:s19], [sflag:$0xA], $0x4000, $0x38;
	[tilespmem:$0x18400] =	vst v63  }
0x32d: {  	_ =	swait.ge [sflag:s12], $0x4000  }
0x32e: {  	[sflag:s12] =	ssyncset.done $0x0  }
0x32f: {  	[sflag:s12] =	ssyncadd.s32 $0xFFFFC000  }
0x330: {  	_ =	swait.ge [sflag:s7], $0x4000  }
0x331: {  	[sflag:s7] =	ssyncset.done $0x0  }
0x332: {  	[sflag:s7] =	ssyncadd.s32 $0xFFFFC000  }
0x333: {  	_ =	swait.ge [sflag:s20], $0x4000  }
0x334: {  	[sflag:s20] =	ssyncset.done $0x0  }
0x335: {  	[sflag:s20] =	ssyncadd.s32 $0xFFFFC000  }
0x336: {  	_ =	swait.ge [sflag:s22], $0x4000  }
0x337: {  	[sflag:s22] =	ssyncset.done $0x0  }
0x338: {  	[sflag:s22] =	ssyncadd.s32 $0xFFFFC000  }
0x339: {  	p0 =	sne.s32 s5, $0x1;
	_ =	swait.ge [sflag:s25], $0x4000  }
.Ltmp0:
0x33a: {  	[sflag:s25] =	ssyncset.done $0x0;
	(pc) =	sbr.rel @p0 .LBB2_1-.Ltmp0, $4  }
0x33b: {  	[sflag:s25] =	ssyncadd.s32 $0xFFFFC000  }
0x33c: {  	_ =	swait.ge [sflag:s26], $0x4000  }
0x33d: {  	[sflag:s26] =	ssyncset.done $0x0  }
0x33e: {  	s5 =	sadd.s32 $0xFFFFFFFF, s5;
	[sflag:s26] =	ssyncadd.s32 $0xFFFFC000  }
0x33f: {  	_ =	sfence.sel $0x180000  }
0x340: {  	[bflag:$0x0] =	sbarrier.arrive $0xFFFF  }
0x341: {  	_ =	strace $0x90000047  }
0x342: {  	s0 =	stileid.u32;
	[bflag:$0x2] =	sbarrier.arrive $0xFFFF  }
0x343: {  	p0 =	sne.s32 s0, $0x0;
	s0 =	rddreg [dreg:$0x3]  }
0x344: {  	s0 =	sadd.s32 @!p0 $0x100000, s0  }
0x345: {  	[sflag:s0] =	ssyncadd.tile.s32 @!p0 $0x1;
	_ =	shalt  }
.Lfunc_end2:
_tile_overlayer_lowered:
.L_overlay_start_2:
0x346: {  	(tag) =	ssettag $0x2  }
0x347: {  	s0 =	rddreg [dreg:$0x0];
	s2 =	stileid.u32  }
0x348: {  	s1 =	rddreg [dreg:$0x1];
	p0 =	sne.s32 s2, $0x0  }
0x349: {  	s3 =	rddreg [dreg:$0x2];
	[bflag:$0x3] =	sbarrier.arrive $0xFFFF;
	s2 =	simm.s32 @!p0 $0x1C0D  }
0x34a: {  	[timem:s3], [sflag:s2] =	dma.local @!p0 [hbm:s0], s1  }
0x34b: {  	s0 =	simm.s32 @!p0 $0xD  }
0x34c: {  	_ =	swait.ge @!p0 [sflag:s0], s1  }
0x34d: {  	s1 =	ssub.s32 @!p0 $0x0, s1;
	[sflag:s0] =	ssyncset.done @!p0 $0x0  }
0x34e: {  	[sflag:s0] =	ssyncadd.s32 @!p0 s1  }
0x34f: {  	[bflag:$0x3] =	sbarrier.arrive $0xFFFF  }
0x350: {  	_ =	shalt  }

</sc_bundles>
